<compile_context>
chip_gen: v7x
topology: tpu7x:2x2x1
jax: 0.10.2.dev20260603
libtpu: 0.0.44.dev20260713+nightly
codegen_flags: <defaults>
</compile_context>

<pallas_src>
import jax
import jax.numpy as jnp
from jax import lax
from jax.experimental import pallas as pl
from jax.experimental.pallas import tpu as pltpu
from jax.experimental.pallas import tpu_sc as plsc

_N = 10000
_E = 320000
_D = 128
_EPS = 1e-5

_NC = 2
_NS = 16
_NW = _NC * _NS
_CH = 128
_NB = 2
_CPT = 80
_G = 16
_EPT = _CPT * _CH
_NPAD = 10112
_RPT = _NPAD // _NS


def _sc_agg_body(x_hbm, srcp, dstp, zrow, agg_out,
                 src_v, dst_v, rows_v, agg_sh, sem):
    c = lax.axis_index("c")
    s = lax.axis_index("s")
    wid = s * _NC + c
    pltpu.sync_copy(zrow, agg_sh.at[pl.ds(s * _RPT, _RPT)])
    pltpu.sync_copy(srcp.at[wid], src_v)
    pltpu.sync_copy(dstp.at[wid], dst_v)
    plsc.subcore_barrier()

    def chunk(j, carry):
        pltpu.async_copy(x_hbm.at[src_v.at[j]], rows_v, sem).wait()
        pltpu.sync_copy(rows_v, agg_sh.at[dst_v.at[j]], add=True)
        return carry

    lax.fori_loop(0, _CPT, chunk, 0)
    plsc.subcore_barrier()
    pltpu.sync_copy(agg_sh.at[pl.ds(s * _RPT, _RPT)],
                    agg_out.at[c, pl.ds(s * _RPT, _RPT)])


_sc_agg = pl.kernel(
    _sc_agg_body,
    out_type=jax.ShapeDtypeStruct((_NC, _NPAD, _D), jnp.float32),
    mesh=plsc.VectorSubcoreMesh(core_axis_name="c", subcore_axis_name="s"),
    scratch_types=[
        pltpu.VMEM((_CPT, _CH), jnp.int32),
        pltpu.VMEM((_CPT, _CH), jnp.int32),
        pltpu.VMEM((_CH, _D), jnp.float32),
        pltpu.VMEM_SHARED((_NPAD, _D), jnp.float32),
        pltpu.SemaphoreType.DMA,
    ],
)


def _sc_cnt_body(dstp, zrow, ones_hbm, cnt_out, dst_v, ones_v, cnt_sh):
    c = lax.axis_index("c")
    s = lax.axis_index("s")
    wid = s * _NC + c
    pltpu.sync_copy(zrow, cnt_sh.at[pl.ds(s * _RPT, _RPT)])
    pltpu.sync_copy(dstp.at[wid], dst_v)
    pltpu.sync_copy(ones_hbm, ones_v)
    plsc.subcore_barrier()

    def chunk(j, carry):
        pltpu.sync_copy(ones_v, cnt_sh.at[dst_v.at[j]], add=True)
        return carry

    lax.fori_loop(0, _CPT, chunk, 0)
    plsc.subcore_barrier()
    pltpu.sync_copy(cnt_sh.at[pl.ds(s * _RPT, _RPT)],
                    cnt_out.at[c, pl.ds(s * _RPT, _RPT)])


_sc_cnt = pl.kernel(
    _sc_cnt_body,
    out_type=jax.ShapeDtypeStruct((_NC, _NPAD, _D), jnp.float32),
    mesh=plsc.VectorSubcoreMesh(core_axis_name="c", subcore_axis_name="s"),
    scratch_types=[
        pltpu.VMEM((_CPT, _CH), jnp.int32),
        pltpu.VMEM((_CH, _D), jnp.float32),
        pltpu.VMEM_SHARED((_NPAD, _D), jnp.float32),
    ],
)


def _dense_body(agg_ref, cnt_ref, x_ref, wl_ref, wr_ref, bl_ref, g_ref,
                b_ref, o_ref):
    agg = agg_ref[0, : _N, :] + agg_ref[1, : _N, :]
    cnt = cnt_ref[0, : _N, 0:1] + cnt_ref[1, : _N, 0:1]
    mean = agg / jnp.maximum(cnt, 1.0)
    x = x_ref[...]
    h = (jnp.dot(mean, wl_ref[...], preferred_element_type=jnp.float32)
         + jnp.dot(x, wr_ref[...], preferred_element_type=jnp.float32)
         + bl_ref[...])
    mu = jnp.mean(h, axis=0, keepdims=True)
    var = jnp.mean((h - mu) ** 2, axis=0, keepdims=True)
    hn = g_ref[...] * (h - mu) * lax.rsqrt(var + _EPS) + b_ref[...]
    o_ref[...] = x + jnp.maximum(hn, 0.0)


_dense = pl.pallas_call(
    _dense_body,
    out_shape=jax.ShapeDtypeStruct((_N, _D), jnp.float32),
)


def _dense_out_body(agg_ref, cnt_ref, x_ref, wl_ref, wr_ref, bl_ref, g_ref,
                    b_ref, wo_ref, bo_ref, o_ref):
    agg = agg_ref[0, : _N, :] + agg_ref[1, : _N, :]
    cnt = cnt_ref[0, : _N, 0:1] + cnt_ref[1, : _N, 0:1]
    mean = agg / jnp.maximum(cnt, 1.0)
    x = x_ref[...]
    h = (jnp.dot(mean, wl_ref[...], preferred_element_type=jnp.float32)
         + jnp.dot(x, wr_ref[...], preferred_element_type=jnp.float32)
         + bl_ref[...])
    mu = jnp.mean(h, axis=0, keepdims=True)
    var = jnp.mean((h - mu) ** 2, axis=0, keepdims=True)
    hn = g_ref[...] * (h - mu) * lax.rsqrt(var + _EPS) + b_ref[...]
    x3 = x + jnp.maximum(hn, 0.0)
    o_ref[...] = (jnp.dot(x3, wo_ref[...], preferred_element_type=jnp.float32)
                  + bo_ref[...])


_dense_out = pl.pallas_call(
    _dense_out_body,
    out_shape=jax.ShapeDtypeStruct((_N, 40), jnp.float32),
)


def kernel(x, edge_index, Wl1, bl1, Wr1, g1, b1, Wl2, bl2, Wr2, g2, b2,
           Wl3, bl3, Wr3, g3, b3, Wout, bout):
    src = edge_index[0]
    dst = edge_index[1]
    pad = _NW * _EPT - _E
    dummy_src = (jnp.arange(pad, dtype=jnp.int32) * 131) % _N
    srcp = jnp.concatenate([src, dummy_src])
    srcp = srcp.reshape(_NW, _CPT, _CH)
    dummy = _N + jnp.arange(pad, dtype=jnp.int32) % (_NPAD - _N)
    dstp = jnp.concatenate([dst, dummy])
    dstp = dstp.reshape(_NW, _CPT, _CH)
    zrow = jnp.zeros((_RPT, _D), jnp.float32)
    ones = jnp.ones((_CH, _D), jnp.float32)

    cnt = _sc_cnt(dstp, zrow, ones)

    h = x
    layers = [(Wl1, bl1, Wr1, g1, b1), (Wl2, bl2, Wr2, g2, b2),
              (Wl3, bl3, Wr3, g3, b3)]
    for i, (Wl, bl, Wr, g, b) in enumerate(layers):
        agg = _sc_agg(h, srcp, dstp, zrow)
        if i < 2:
            h = _dense(agg, cnt, h, Wl.T, Wr.T, bl[None, :], g[None, :],
                       b[None, :])
        else:
            out = _dense_out(agg, cnt, h, Wl.T, Wr.T, bl[None, :],
                             g[None, :], b[None, :], Wout.T, bout[None, :])
    return out

# --- scband reference (transcript-rebuilt; emitter-appended) ---
"""Pipeline reference for scband-sagemodel-deep-28741921144896 (READ-ONLY COPY).

The authoritative reference and input builder live on the scoring server;
editing this copy changes nothing except your own understanding.
"""

import jax, jax.numpy as jnp
import numpy as np

N = 10000
E = 320000
D = 128
H = 128
C = 40
EPS = 1e-5


def setup_inputs(seed: int = 0) -> dict:
    key = jax.random.key(seed)
    ks = jax.random.split(key, 24)
    inp = {}
    inp["x"] = jax.random.normal(ks[0], (N, D), dtype=jnp.float32)
    inp["edge_index"] = jax.random.randint(ks[1], (2, E), 0, N, dtype=jnp.int32)
    ki = 2
    dims = [(D, H), (H, H), (H, H)]
    for i, (din, dout) in enumerate(dims, start=1):
        s = 1.0 / np.sqrt(din)
        inp[f"Wl{i}"] = jax.random.uniform(ks[ki], (dout, din), dtype=jnp.float32, minval=-s, maxval=s); ki += 1
        inp[f"bl{i}"] = jnp.zeros((dout,), dtype=jnp.float32)
        inp[f"Wr{i}"] = jax.random.uniform(ks[ki], (dout, din), dtype=jnp.float32, minval=-s, maxval=s); ki += 1
        inp[f"g{i}"] = jnp.ones((dout,), dtype=jnp.float32)
        inp[f"b{i}"] = jnp.zeros((dout,), dtype=jnp.float32)
    s = 1.0 / np.sqrt(H)
    inp["Wout"] = jax.random.uniform(ks[ki], (C, H), dtype=jnp.float32, minval=-s, maxval=s); ki += 1
    inp["bout"] = jnp.zeros((C,), dtype=jnp.float32)
    return inp


def _sage_conv(x, src, dst, Wl, bl, Wr):
    # PyG SAGEConv (aggr='mean'): out = lin_l(mean_j x_j) + lin_r(x_i)
    msg = x[src]
    agg = jax.ops.segment_sum(msg, dst, num_segments=N)
    cnt = jax.ops.segment_sum(jnp.ones((src.shape[0],), jnp.float32), dst, num_segments=N)
    mean = agg / jnp.maximum(cnt, 1.0)[:, None]
    return mean @ Wl.T + bl + x @ Wr.T


def _batch_norm(h, gamma, beta):
    mu = jnp.mean(h, axis=0)
    var = jnp.var(h, axis=0)
    return gamma * (h - mu) / jnp.sqrt(var + EPS) + beta


def reference(x, edge_index, Wl1, bl1, Wr1, g1, b1, Wl2, bl2, Wr2, g2, b2, Wl3, bl3, Wr3, g3, b3, Wout, bout):
    src, dst = edge_index[0], edge_index[1]
    layers = [
        (Wl1, bl1, Wr1, g1, b1),
        (Wl2, bl2, Wr2, g2, b2),
        (Wl3, bl3, Wr3, g3, b3),
    ]
    for (Wl, bl, Wr, g, b) in layers:
        h = _sage_conv(x, src, dst, Wl, bl, Wr)
        h = _batch_norm(h, g, b)
        h = jax.nn.relu(h)
        # dropout omitted (deterministic / eval-style identity)
        if h.shape == x.shape:
            x = x + h
        else:
            x = h
    return x @ Wout.T + bout

if __name__ == "__main__":
    import jax
    _d = setup_inputs()
    print(jax.jit(kernel)(*tuple(_d.values())))

</pallas_src>

<mosaic_0001>
#map = affine_map<(d0, d1) -> (0, 0)>
#map1 = affine_map<(d0, d1) -> (0, 0, 0)>
module attributes {stable_mosaic.version = 14 : i64} {
  func.func @_sc_agg_body(%arg0: i32, %arg1: i32, %arg2: memref<10000x128xf32, #tpu.memory_space<hbm>>, %arg3: memref<32x80x128xi32, #tpu.memory_space<hbm>>, %arg4: memref<32x80x128xi32, #tpu.memory_space<hbm>>, %arg5: memref<632x128xf32, #tpu.memory_space<hbm>>, %arg6: memref<2x10112x128xf32, #tpu.memory_space<hbm>>, %arg7: memref<80x128xi32, #tpu.memory_space<vmem>>, %arg8: memref<80x128xi32, #tpu.memory_space<vmem>>, %arg9: memref<128x128xf32, #tpu.memory_space<vmem>>, %arg10: memref<10112x128xf32, #tpu.memory_space<vmem_shared>>, %arg11: memref<!tpu.dma_semaphore, #tpu.memory_space<semaphore_mem>>) attributes {dimension_semantics = [#tpu.dimension_semantics<core_parallel>, #tpu.dimension_semantics<subcore_parallel>], iteration_bounds = array<i64: 2, 16>, scalar_prefetch = 0 : i64, scratch_operands = 5 : i64, tpu.core_type = #tpu.core_type<sc_vector_subcore>, window_params = [{transform_indices = #map}, {transform_indices = #map1}, {transform_indices = #map1}, {transform_indices = #map}, {transform_indices = #map1}]} {
    %mul3A = arith.constant 2 : i32
    %mul3A_0 = arith.muli %arg1, %mul3A : i32
    %add3A = arith.addi %mul3A_0, %arg0 : i32
    %mul3A_1 = arith.constant 632 : i32
    %mul3A_2 = arith.muli %arg1, %mul3A_1 : i32
    "tpu.region"() ({
      %run_scoped3A = tpu.sem_alloc : memref<!tpu.dma_semaphore, #tpu.memory_space<semaphore_mem>>
      %dma_start3A = arith.constant 0 : i32
      %dma_start3A_13 = tpu.memref_slice %arg10[%mul3A_2, %dma_start3A] : memref<10112x128xf32, #tpu.memory_space<vmem_shared>> -> memref<632x128xf32, #tpu.memory_space<vmem_shared>>
      tpu.enqueue_dma source(%arg5 : memref<632x128xf32, #tpu.memory_space<hbm>>) target(%dma_start3A_13 : memref<632x128xf32, #tpu.memory_space<vmem_shared>>) target_semaphore(%run_scoped3A : memref<!tpu.dma_semaphore, #tpu.memory_space<semaphore_mem>>)
      %dma_wait3A = arith.constant 0 : i32
      %dma_wait3A_14 = tpu.memref_slice %arg10[%mul3A_2, %dma_wait3A] : memref<10112x128xf32, #tpu.memory_space<vmem_shared>> -> memref<632x128xf32, #tpu.memory_space<vmem_shared>>
      tpu.wait_dma2 semaphore(%run_scoped3A : memref<!tpu.dma_semaphore, #tpu.memory_space<semaphore_mem>>) src(%arg5 : memref<632x128xf32, #tpu.memory_space<hbm>>) dst(%dma_wait3A_14 : memref<632x128xf32, #tpu.memory_space<vmem_shared>>)
      tpu.yield
    }) : () -> ()
    "tpu.region"() ({
      %run_scoped3A = tpu.sem_alloc : memref<!tpu.dma_semaphore, #tpu.memory_space<semaphore_mem>>
      %dma_start3A = arith.constant 0 : i32
      %dma_start3A_13 = arith.constant 0 : i32
      %dma_start3A_14 = tpu.memref_slice %arg3[%add3A, %dma_start3A, %dma_start3A_13] : memref<32x80x128xi32, #tpu.memory_space<hbm>> -> memref<1x80x128xi32, #tpu.memory_space<hbm>>
      %dma_start3A_15 = tpu.memref_squeeze %dma_start3A_14 : memref<1x80x128xi32, #tpu.memory_space<hbm>> -> memref<80x128xi32, #tpu.memory_space<hbm>>
      %dma_start3A_16 = arith.constant 0 : i32
      %dma_start3A_17 = arith.constant 0 : i32
      %dma_start3A_18 = tpu.memref_slice %arg3[%add3A, %dma_start3A_16, %dma_start3A_17] : memref<32x80x128xi32, #tpu.memory_space<hbm>> -> memref<1x80x128xi32, #tpu.memory_space<hbm>>
      %dma_start3A_19 = tpu.memref_squeeze %dma_start3A_18 : memref<1x80x128xi32, #tpu.memory_space<hbm>> -> memref<80x128xi32, #tpu.memory_space<hbm>>
      tpu.enqueue_dma source(%dma_start3A_19 : memref<80x128xi32, #tpu.memory_space<hbm>>) target(%arg7 : memref<80x128xi32, #tpu.memory_space<vmem>>) target_semaphore(%run_scoped3A : memref<!tpu.dma_semaphore, #tpu.memory_space<semaphore_mem>>)
      %dma_wait3A = arith.constant 0 : i32
      %dma_wait3A_20 = arith.constant 0 : i32
      %dma_wait3A_21 = tpu.memref_slice %arg3[%add3A, %dma_wait3A, %dma_wait3A_20] : memref<32x80x128xi32, #tpu.memory_space<hbm>> -> memref<1x80x128xi32, #tpu.memory_space<hbm>>
      %dma_wait3A_22 = tpu.memref_squeeze %dma_wait3A_21 : memref<1x80x128xi32, #tpu.memory_space<hbm>> -> memref<80x128xi32, #tpu.memory_space<hbm>>
      %dma_wait3A_23 = arith.constant 0 : i32
      %dma_wait3A_24 = arith.constant 0 : i32
      %dma_wait3A_25 = tpu.memref_slice %arg3[%add3A, %dma_wait3A_23, %dma_wait3A_24] : memref<32x80x128xi32, #tpu.memory_space<hbm>> -> memref<1x80x128xi32, #tpu.memory_space<hbm>>
      %dma_wait3A_26 = tpu.memref_squeeze %dma_wait3A_25 : memref<1x80x128xi32, #tpu.memory_space<hbm>> -> memref<80x128xi32, #tpu.memory_space<hbm>>
      tpu.wait_dma2 semaphore(%run_scoped3A : memref<!tpu.dma_semaphore, #tpu.memory_space<semaphore_mem>>) src(%dma_wait3A_26 : memref<80x128xi32, #tpu.memory_space<hbm>>) dst(%arg7 : memref<80x128xi32, #tpu.memory_space<vmem>>)
      tpu.yield
    }) : () -> ()
    "tpu.region"() ({
      %run_scoped3A = tpu.sem_alloc : memref<!tpu.dma_semaphore, #tpu.memory_space<semaphore_mem>>
      %dma_start3A = arith.constant 0 : i32
      %dma_start3A_13 = arith.constant 0 : i32
      %dma_start3A_14 = tpu.memref_slice %arg4[%add3A, %dma_start3A, %dma_start3A_13] : memref<32x80x128xi32, #tpu.memory_space<hbm>> -> memref<1x80x128xi32, #tpu.memory_space<hbm>>
      %dma_start3A_15 = tpu.memref_squeeze %dma_start3A_14 : memref<1x80x128xi32, #tpu.memory_space<hbm>> -> memref<80x128xi32, #tpu.memory_space<hbm>>
      %dma_start3A_16 = arith.constant 0 : i32
      %dma_start3A_17 = arith.constant 0 : i32
      %dma_start3A_18 = tpu.memref_slice %arg4[%add3A, %dma_start3A_16, %dma_start3A_17] : memref<32x80x128xi32, #tpu.memory_space<hbm>> -> memref<1x80x128xi32, #tpu.memory_space<hbm>>
      %dma_start3A_19 = tpu.memref_squeeze %dma_start3A_18 : memref<1x80x128xi32, #tpu.memory_space<hbm>> -> memref<80x128xi32, #tpu.memory_space<hbm>>
      tpu.enqueue_dma source(%dma_start3A_19 : memref<80x128xi32, #tpu.memory_space<hbm>>) target(%arg8 : memref<80x128xi32, #tpu.memory_space<vmem>>) target_semaphore(%run_scoped3A : memref<!tpu.dma_semaphore, #tpu.memory_space<semaphore_mem>>)
      %dma_wait3A = arith.constant 0 : i32
      %dma_wait3A_20 = arith.constant 0 : i32
      %dma_wait3A_21 = tpu.memref_slice %arg4[%add3A, %dma_wait3A, %dma_wait3A_20] : memref<32x80x128xi32, #tpu.memory_space<hbm>> -> memref<1x80x128xi32, #tpu.memory_space<hbm>>
      %dma_wait3A_22 = tpu.memref_squeeze %dma_wait3A_21 : memref<1x80x128xi32, #tpu.memory_space<hbm>> -> memref<80x128xi32, #tpu.memory_space<hbm>>
      %dma_wait3A_23 = arith.constant 0 : i32
      %dma_wait3A_24 = arith.constant 0 : i32
      %dma_wait3A_25 = tpu.memref_slice %arg4[%add3A, %dma_wait3A_23, %dma_wait3A_24] : memref<32x80x128xi32, #tpu.memory_space<hbm>> -> memref<1x80x128xi32, #tpu.memory_space<hbm>>
      %dma_wait3A_26 = tpu.memref_squeeze %dma_wait3A_25 : memref<1x80x128xi32, #tpu.memory_space<hbm>> -> memref<80x128xi32, #tpu.memory_space<hbm>>
      tpu.wait_dma2 semaphore(%run_scoped3A : memref<!tpu.dma_semaphore, #tpu.memory_space<semaphore_mem>>) src(%dma_wait3A_26 : memref<80x128xi32, #tpu.memory_space<hbm>>) dst(%arg8 : memref<80x128xi32, #tpu.memory_space<vmem>>)
      tpu.yield
    }) : () -> ()
    %barrier3A = arith.constant 0 : index
    tpu.barrier barrier_id(%barrier3A)
    %scan3A = arith.constant 0 : i32
    %scan3A_3 = arith.constant 0 : i32
    %scan3A_4 = arith.constant 80 : i32
    %scan3A_5 = arith.addi %scan3A_3, %scan3A_4 : i32
    %scan3A_6 = arith.constant 1 : i32
    scf.for %scan3A_13 = %scan3A_3 to %scan3A_5 step %scan3A_6  : i32 {
      %dma_start3A = arith.constant 0 : i32
      %dma_start3A_14 = tpu.memref_slice %arg7[%scan3A_13, %dma_start3A] : memref<80x128xi32, #tpu.memory_space<vmem>> -> memref<1x128xi32, #tpu.memory_space<vmem>>
      %dma_start3A_15 = tpu.memref_squeeze %dma_start3A_14 : memref<1x128xi32, #tpu.memory_space<vmem>> -> memref<128xi32, #tpu.memory_space<vmem>>
      %dma_start3A_16 = arith.constant 0 : i32
      %dma_start3A_17 = arith.constant 0 : i32
      %dma_start3A_18 = tpu.memref_slice %arg2[%dma_start3A_16, %dma_start3A_17] : memref<10000x128xf32, #tpu.memory_space<hbm>> -> memref<10000x128xf32, #tpu.memory_space<hbm>>
      tpu.enqueue_indirect_dma source(%dma_start3A_18 : memref<10000x128xf32, #tpu.memory_space<hbm>>) target(%arg9 : memref<128x128xf32, #tpu.memory_space<vmem>>) offsets(%dma_start3A_15 : memref<128xi32, #tpu.memory_space<vmem>>) semaphore(%arg11 : memref<!tpu.dma_semaphore, #tpu.memory_space<semaphore_mem>>)
      %dma_wait3A = arith.constant 0 : i32
      %dma_wait3A_19 = tpu.memref_slice %arg7[%scan3A_13, %dma_wait3A] : memref<80x128xi32, #tpu.memory_space<vmem>> -> memref<1x128xi32, #tpu.memory_space<vmem>>
      %dma_wait3A_20 = tpu.memref_squeeze %dma_wait3A_19 : memref<1x128xi32, #tpu.memory_space<vmem>> -> memref<128xi32, #tpu.memory_space<vmem>>
      %dma_wait3A_21 = arith.constant 0 : i32
      %dma_wait3A_22 = arith.constant 0 : i32
      %dma_wait3A_23 = tpu.memref_slice %arg2[%dma_wait3A_21, %dma_wait3A_22] : memref<10000x128xf32, #tpu.memory_space<hbm>> -> memref<10000x128xf32, #tpu.memory_space<hbm>>
      tpu.wait_indirect_dma semaphore(%arg11 : memref<!tpu.dma_semaphore, #tpu.memory_space<semaphore_mem>>) src(%dma_wait3A_23 : memref<10000x128xf32, #tpu.memory_space<hbm>>) dst(%arg9 : memref<128x128xf32, #tpu.memory_space<vmem>>)
      "tpu.region"() ({
        %run_scoped3A = tpu.sem_alloc : memref<!tpu.dma_semaphore, #tpu.memory_space<semaphore_mem>>
        %dma_start3A_24 = arith.constant 0 : i32
        %dma_start3A_25 = tpu.memref_slice %arg8[%scan3A_13, %dma_start3A_24] : memref<80x128xi32, #tpu.memory_space<vmem>> -> memref<1x128xi32, #tpu.memory_space<vmem>>
        %dma_start3A_26 = tpu.memref_squeeze %dma_start3A_25 : memref<1x128xi32, #tpu.memory_space<vmem>> -> memref<128xi32, #tpu.memory_space<vmem>>
        %dma_start3A_27 = arith.constant 0 : i32
        %dma_start3A_28 = arith.constant 0 : i32
        %dma_start3A_29 = tpu.memref_slice %arg10[%dma_start3A_27, %dma_start3A_28] : memref<10112x128xf32, #tpu.memory_space<vmem_shared>> -> memref<10112x128xf32, #tpu.memory_space<vmem_shared>>
        tpu.enqueue_indirect_dma source(%arg9 : memref<128x128xf32, #tpu.memory_space<vmem>>) target(%dma_start3A_29 : memref<10112x128xf32, #tpu.memory_space<vmem_shared>>) offsets(%dma_start3A_26 : memref<128xi32, #tpu.memory_space<vmem>>) semaphore(%run_scoped3A : memref<!tpu.dma_semaphore, #tpu.memory_space<semaphore_mem>>) {add = true}
        %dma_wait3A_30 = arith.constant 0 : i32
        %dma_wait3A_31 = tpu.memref_slice %arg8[%scan3A_13, %dma_wait3A_30] : memref<80x128xi32, #tpu.memory_space<vmem>> -> memref<1x128xi32, #tpu.memory_space<vmem>>
        %dma_wait3A_32 = tpu.memref_squeeze %dma_wait3A_31 : memref<1x128xi32, #tpu.memory_space<vmem>> -> memref<128xi32, #tpu.memory_space<vmem>>
        %dma_wait3A_33 = arith.constant 0 : i32
        %dma_wait3A_34 = arith.constant 0 : i32
        %dma_wait3A_35 = tpu.memref_slice %arg10[%dma_wait3A_33, %dma_wait3A_34] : memref<10112x128xf32, #tpu.memory_space<vmem_shared>> -> memref<10112x128xf32, #tpu.memory_space<vmem_shared>>
        tpu.wait_indirect_dma semaphore(%run_scoped3A : memref<!tpu.dma_semaphore, #tpu.memory_space<semaphore_mem>>) src(%arg9 : memref<128x128xf32, #tpu.memory_space<vmem>>) dst(%dma_wait3A_35 : memref<10112x128xf32, #tpu.memory_space<vmem_shared>>)
        tpu.yield
      }) : () -> ()
    }
    %scan3A_7 = arith.constant 80 : i32
    %barrier3A_8 = arith.constant 0 : index
    tpu.barrier barrier_id(%barrier3A_8)
    %mul3A_9 = arith.constant 632 : i32
    %mul3A_10 = arith.muli %arg1, %mul3A_9 : i32
    %mul3A_11 = arith.constant 632 : i32
    %mul3A_12 = arith.muli %arg1, %mul3A_11 : i32
    "tpu.region"() ({
      %run_scoped3A = tpu.sem_alloc : memref<!tpu.dma_semaphore, #tpu.memory_space<semaphore_mem>>
      %dma_start3A = arith.constant 0 : i32
      %dma_start3A_13 = tpu.memref_slice %arg6[%arg0, %mul3A_12, %dma_start3A] : memref<2x10112x128xf32, #tpu.memory_space<hbm>> -> memref<1x632x128xf32, #tpu.memory_space<hbm>>
      %dma_start3A_14 = tpu.memref_squeeze %dma_start3A_13 : memref<1x632x128xf32, #tpu.memory_space<hbm>> -> memref<632x128xf32, #tpu.memory_space<hbm>>
      %dma_start3A_15 = arith.constant 0 : i32
      %dma_start3A_16 = tpu.memref_slice %arg10[%mul3A_10, %dma_start3A_15] : memref<10112x128xf32, #tpu.memory_space<vmem_shared>> -> memref<632x128xf32, #tpu.memory_space<vmem_shared>>
      tpu.enqueue_dma source(%dma_start3A_16 : memref<632x128xf32, #tpu.memory_space<vmem_shared>>) target(%dma_start3A_14 : memref<632x128xf32, #tpu.memory_space<hbm>>) target_semaphore(%run_scoped3A : memref<!tpu.dma_semaphore, #tpu.memory_space<semaphore_mem>>)
      %dma_wait3A = arith.constant 0 : i32
      %dma_wait3A_17 = tpu.memref_slice %arg6[%arg0, %mul3A_12, %dma_wait3A] : memref<2x10112x128xf32, #tpu.memory_space<hbm>> -> memref<1x632x128xf32, #tpu.memory_space<hbm>>
      %dma_wait3A_18 = tpu.memref_squeeze %dma_wait3A_17 : memref<1x632x128xf32, #tpu.memory_space<hbm>> -> memref<632x128xf32, #tpu.memory_space<hbm>>
      %dma_wait3A_19 = arith.constant 0 : i32
      %dma_wait3A_20 = tpu.memref_slice %arg10[%mul3A_10, %dma_wait3A_19] : memref<10112x128xf32, #tpu.memory_space<vmem_shared>> -> memref<632x128xf32, #tpu.memory_space<vmem_shared>>
      tpu.wait_dma2 semaphore(%run_scoped3A : memref<!tpu.dma_semaphore, #tpu.memory_space<semaphore_mem>>) src(%dma_wait3A_20 : memref<632x128xf32, #tpu.memory_space<vmem_shared>>) dst(%dma_wait3A_18 : memref<632x128xf32, #tpu.memory_space<hbm>>)
      tpu.yield
    }) : () -> ()
    return
  }
}

#map = affine_map<(d0, d1) -> (0, 0)>
#map1 = affine_map<(d0, d1) -> (0, 0, 0)>
module attributes {stable_mosaic.version = 14 : i64} {
  func.func @_sc_agg_body(%arg0: i32, %arg1: i32, %arg2: memref<10000x128xf32, #tpu.memory_space<hbm>>, %arg3: memref<32x80x128xi32, #tpu.memory_space<hbm>>, %arg4: memref<32x80x128xi32, #tpu.memory_space<hbm>>, %arg5: memref<632x128xf32, #tpu.memory_space<hbm>>, %arg6: memref<2x10112x128xf32, #tpu.memory_space<hbm>>, %arg7: memref<80x128xi32, #tpu.memory_space<vmem>>, %arg8: memref<80x128xi32, #tpu.memory_space<vmem>>, %arg9: memref<128x128xf32, #tpu.memory_space<vmem>>, %arg10: memref<10112x128xf32, #tpu.memory_space<vmem_shared>>, %arg11: memref<!tpu.dma_semaphore, #tpu.memory_space<semaphore_mem>>) attributes {dimension_semantics = [#tpu.dimension_semantics<core_parallel>, #tpu.dimension_semantics<subcore_parallel>], iteration_bounds = array<i64: 2, 16>, scalar_prefetch = 0 : i64, scratch_operands = 5 : i64, tpu.core_type = #tpu.core_type<sc_vector_subcore>, window_params = [{transform_indices = #map}, {transform_indices = #map1}, {transform_indices = #map1}, {transform_indices = #map}, {transform_indices = #map1}]} {
    %mul3A = arith.constant 2 : i32
    %mul3A_0 = arith.muli %arg1, %mul3A : i32
    %add3A = arith.addi %mul3A_0, %arg0 : i32
    %mul3A_1 = arith.constant 632 : i32
    %mul3A_2 = arith.muli %arg1, %mul3A_1 : i32
    "tpu.region"() ({
      %run_scoped3A = tpu.sem_alloc : memref<!tpu.dma_semaphore, #tpu.memory_space<semaphore_mem>>
      %dma_start3A = arith.constant 0 : i32
      %dma_start3A_13 = tpu.memref_slice %arg10[%mul3A_2, %dma_start3A] : memref<10112x128xf32, #tpu.memory_space<vmem_shared>> -> memref<632x128xf32, #tpu.memory_space<vmem_shared>>
      tpu.enqueue_dma source(%arg5 : memref<632x128xf32, #tpu.memory_space<hbm>>) target(%dma_start3A_13 : memref<632x128xf32, #tpu.memory_space<vmem_shared>>) target_semaphore(%run_scoped3A : memref<!tpu.dma_semaphore, #tpu.memory_space<semaphore_mem>>)
      %dma_wait3A = arith.constant 0 : i32
      %dma_wait3A_14 = tpu.memref_slice %arg10[%mul3A_2, %dma_wait3A] : memref<10112x128xf32, #tpu.memory_space<vmem_shared>> -> memref<632x128xf32, #tpu.memory_space<vmem_shared>>
      tpu.wait_dma2 semaphore(%run_scoped3A : memref<!tpu.dma_semaphore, #tpu.memory_space<semaphore_mem>>) src(%arg5 : memref<632x128xf32, #tpu.memory_space<hbm>>) dst(%dma_wait3A_14 : memref<632x128xf32, #tpu.memory_space<vmem_shared>>)
      tpu.yield
    }) : () -> ()
    "tpu.region"() ({
      %run_scoped3A = tpu.sem_alloc : memref<!tpu.dma_semaphore, #tpu.memory_space<semaphore_mem>>
      %dma_start3A = arith.constant 0 : i32
      %dma_start3A_13 = arith.constant 0 : i32
      %dma_start3A_14 = tpu.memref_slice %arg3[%add3A, %dma_start3A, %dma_start3A_13] : memref<32x80x128xi32, #tpu.memory_space<hbm>> -> memref<1x80x128xi32, #tpu.memory_space<hbm>>
      %dma_start3A_15 = tpu.memref_squeeze %dma_start3A_14 : memref<1x80x128xi32, #tpu.memory_space<hbm>> -> memref<80x128xi32, #tpu.memory_space<hbm>>
      %dma_start3A_16 = arith.constant 0 : i32
      %dma_start3A_17 = arith.constant 0 : i32
      %dma_start3A_18 = tpu.memref_slice %arg3[%add3A, %dma_start3A_16, %dma_start3A_17] : memref<32x80x128xi32, #tpu.memory_space<hbm>> -> memref<1x80x128xi32, #tpu.memory_space<hbm>>
      %dma_start3A_19 = tpu.memref_squeeze %dma_start3A_18 : memref<1x80x128xi32, #tpu.memory_space<hbm>> -> memref<80x128xi32, #tpu.memory_space<hbm>>
      tpu.enqueue_dma source(%dma_start3A_19 : memref<80x128xi32, #tpu.memory_space<hbm>>) target(%arg7 : memref<80x128xi32, #tpu.memory_space<vmem>>) target_semaphore(%run_scoped3A : memref<!tpu.dma_semaphore, #tpu.memory_space<semaphore_mem>>)
      %dma_wait3A = arith.constant 0 : i32
      %dma_wait3A_20 = arith.constant 0 : i32
      %dma_wait3A_21 = tpu.memref_slice %arg3[%add3A, %dma_wait3A, %dma_wait3A_20] : memref<32x80x128xi32, #tpu.memory_space<hbm>> -> memref<1x80x128xi32, #tpu.memory_space<hbm>>
      %dma_wait3A_22 = tpu.memref_squeeze %dma_wait3A_21 : memref<1x80x128xi32, #tpu.memory_space<hbm>> -> memref<80x128xi32, #tpu.memory_space<hbm>>
      %dma_wait3A_23 = arith.constant 0 : i32
      %dma_wait3A_24 = arith.constant 0 : i32
      %dma_wait3A_25 = tpu.memref_slice %arg3[%add3A, %dma_wait3A_23, %dma_wait3A_24] : memref<32x80x128xi32, #tpu.memory_space<hbm>> -> memref<1x80x128xi32, #tpu.memory_space<hbm>>
      %dma_wait3A_26 = tpu.memref_squeeze %dma_wait3A_25 : memref<1x80x128xi32, #tpu.memory_space<hbm>> -> memref<80x128xi32, #tpu.memory_space<hbm>>
      tpu.wait_dma2 semaphore(%run_scoped3A : memref<!tpu.dma_semaphore, #tpu.memory_space<semaphore_mem>>) src(%dma_wait3A_26 : memref<80x128xi32, #tpu.memory_space<hbm>>) dst(%arg7 : memref<80x128xi32, #tpu.memory_space<vmem>>)
      tpu.yield
    }) : () -> ()
    "tpu.region"() ({
      %run_scoped3A = tpu.sem_alloc : memref<!tpu.dma_semaphore, #tpu.memory_space<semaphore_mem>>
      %dma_start3A = arith.constant 0 : i32
      %dma_start3A_13 = arith.constant 0 : i32
      %dma_start3A_14 = tpu.memref_slice %arg4[%add3A, %dma_start3A, %dma_start3A_13] : memref<32x80x128xi32, #tpu.memory_space<hbm>> -> memref<1x80x128xi32, #tpu.memory_space<hbm>>
      %dma_start3A_15 = tpu.memref_squeeze %dma_start3A_14 : memref<1x80x128xi32, #tpu.memory_space<hbm>> -> memref<80x128xi32, #tpu.memory_space<hbm>>
      %dma_start3A_16 = arith.constant 0 : i32
      %dma_start3A_17 = arith.constant 0 : i32
      %dma_start3A_18 = tpu.memref_slice %arg4[%add3A, %dma_start3A_16, %dma_start3A_17] : memref<32x80x128xi32, #tpu.memory_space<hbm>> -> memref<1x80x128xi32, #tpu.memory_space<hbm>>
      %dma_start3A_19 = tpu.memref_squeeze %dma_start3A_18 : memref<1x80x128xi32, #tpu.memory_space<hbm>> -> memref<80x128xi32, #tpu.memory_space<hbm>>
      tpu.enqueue_dma source(%dma_start3A_19 : memref<80x128xi32, #tpu.memory_space<hbm>>) target(%arg8 : memref<80x128xi32, #tpu.memory_space<vmem>>) target_semaphore(%run_scoped3A : memref<!tpu.dma_semaphore, #tpu.memory_space<semaphore_mem>>)
      %dma_wait3A = arith.constant 0 : i32
      %dma_wait3A_20 = arith.constant 0 : i32
      %dma_wait3A_21 = tpu.memref_slice %arg4[%add3A, %dma_wait3A, %dma_wait3A_20] : memref<32x80x128xi32, #tpu.memory_space<hbm>> -> memref<1x80x128xi32, #tpu.memory_space<hbm>>
      %dma_wait3A_22 = tpu.memref_squeeze %dma_wait3A_21 : memref<1x80x128xi32, #tpu.memory_space<hbm>> -> memref<80x128xi32, #tpu.memory_space<hbm>>
      %dma_wait3A_23 = arith.constant 0 : i32
      %dma_wait3A_24 = arith.constant 0 : i32
      %dma_wait3A_25 = tpu.memref_slice %arg4[%add3A, %dma_wait3A_23, %dma_wait3A_24] : memref<32x80x128xi32, #tpu.memory_space<hbm>> -> memref<1x80x128xi32, #tpu.memory_space<hbm>>
      %dma_wait3A_26 = tpu.memref_squeeze %dma_wait3A_25 : memref<1x80x128xi32, #tpu.memory_space<hbm>> -> memref<80x128xi32, #tpu.memory_space<hbm>>
      tpu.wait_dma2 semaphore(%run_scoped3A : memref<!tpu.dma_semaphore, #tpu.memory_space<semaphore_mem>>) src(%dma_wait3A_26 : memref<80x128xi32, #tpu.memory_space<hbm>>) dst(%arg8 : memref<80x128xi32, #tpu.memory_space<vmem>>)
      tpu.yield
    }) : () -> ()
    %barrier3A = arith.constant 0 : index
    tpu.barrier barrier_id(%barrier3A)
    %scan3A = arith.constant 0 : i32
    %scan3A_3 = arith.constant 0 : i32
    %scan3A_4 = arith.constant 80 : i32
    %scan3A_5 = arith.addi %scan3A_3, %scan3A_4 : i32
    %scan3A_6 = arith.constant 1 : i32
    scf.for %scan3A_13 = %scan3A_3 to %scan3A_5 step %scan3A_6  : i32 {
      %dma_start3A = arith.constant 0 : i32
      %dma_start3A_14 = tpu.memref_slice %arg7[%scan3A_13, %dma_start3A] : memref<80x128xi32, #tpu.memory_space<vmem>> -> memref<1x128xi32, #tpu.memory_space<vmem>>
      %dma_start3A_15 = tpu.memref_squeeze %dma_start3A_14 : memref<1x128xi32, #tpu.memory_space<vmem>> -> memref<128xi32, #tpu.memory_space<vmem>>
      %dma_start3A_16 = arith.constant 0 : i32
      %dma_start3A_17 = arith.constant 0 : i32
      %dma_start3A_18 = tpu.memref_slice %arg2[%dma_start3A_16, %dma_start3A_17] : memref<10000x128xf32, #tpu.memory_space<hbm>> -> memref<10000x128xf32, #tpu.memory_space<hbm>>
      tpu.enqueue_indirect_dma source(%dma_start3A_18 : memref<10000x128xf32, #tpu.memory_space<hbm>>) target(%arg9 : memref<128x128xf32, #tpu.memory_space<vmem>>) offsets(%dma_start3A_15 : memref<128xi32, #tpu.memory_space<vmem>>) semaphore(%arg11 : memref<!tpu.dma_semaphore, #tpu.memory_space<semaphore_mem>>)
      %dma_wait3A = arith.constant 0 : i32
      %dma_wait3A_19 = tpu.memref_slice %arg7[%scan3A_13, %dma_wait3A] : memref<80x128xi32, #tpu.memory_space<vmem>> -> memref<1x128xi32, #tpu.memory_space<vmem>>
      %dma_wait3A_20 = tpu.memref_squeeze %dma_wait3A_19 : memref<1x128xi32, #tpu.memory_space<vmem>> -> memref<128xi32, #tpu.memory_space<vmem>>
      %dma_wait3A_21 = arith.constant 0 : i32
      %dma_wait3A_22 = arith.constant 0 : i32
      %dma_wait3A_23 = tpu.memref_slice %arg2[%dma_wait3A_21, %dma_wait3A_22] : memref<10000x128xf32, #tpu.memory_space<hbm>> -> memref<10000x128xf32, #tpu.memory_space<hbm>>
      tpu.wait_indirect_dma semaphore(%arg11 : memref<!tpu.dma_semaphore, #tpu.memory_space<semaphore_mem>>) src(%dma_wait3A_23 : memref<10000x128xf32, #tpu.memory_space<hbm>>) dst(%arg9 : memref<128x128xf32, #tpu.memory_space<vmem>>)
      "tpu.region"() ({
        %run_scoped3A = tpu.sem_alloc : memref<!tpu.dma_semaphore, #tpu.memory_space<semaphore_mem>>
        %dma_start3A_24 = arith.constant 0 : i32
        %dma_start3A_25 = tpu.memref_slice %arg8[%scan3A_13, %dma_start3A_24] : memref<80x128xi32, #tpu.memory_space<vmem>> -> memref<1x128xi32, #tpu.memory_space<vmem>>
        %dma_start3A_26 = tpu.memref_squeeze %dma_start3A_25 : memref<1x128xi32, #tpu.memory_space<vmem>> -> memref<128xi32, #tpu.memory_space<vmem>>
        %dma_start3A_27 = arith.constant 0 : i32
        %dma_start3A_28 = arith.constant 0 : i32
        %dma_start3A_29 = tpu.memref_slice %arg10[%dma_start3A_27, %dma_start3A_28] : memref<10112x128xf32, #tpu.memory_space<vmem_shared>> -> memref<10112x128xf32, #tpu.memory_space<vmem_shared>>
        tpu.enqueue_indirect_dma source(%arg9 : memref<128x128xf32, #tpu.memory_space<vmem>>) target(%dma_start3A_29 : memref<10112x128xf32, #tpu.memory_space<vmem_shared>>) offsets(%dma_start3A_26 : memref<128xi32, #tpu.memory_space<vmem>>) semaphore(%run_scoped3A : memref<!tpu.dma_semaphore, #tpu.memory_space<semaphore_mem>>) {add = true}
        %dma_wait3A_30 = arith.constant 0 : i32
        %dma_wait3A_31 = tpu.memref_slice %arg8[%scan3A_13, %dma_wait3A_30] : memref<80x128xi32, #tpu.memory_space<vmem>> -> memref<1x128xi32, #tpu.memory_space<vmem>>
        %dma_wait3A_32 = tpu.memref_squeeze %dma_wait3A_31 : memref<1x128xi32, #tpu.memory_space<vmem>> -> memref<128xi32, #tpu.memory_space<vmem>>
        %dma_wait3A_33 = arith.constant 0 : i32
        %dma_wait3A_34 = arith.constant 0 : i32
        %dma_wait3A_35 = tpu.memref_slice %arg10[%dma_wait3A_33, %dma_wait3A_34] : memref<10112x128xf32, #tpu.memory_space<vmem_shared>> -> memref<10112x128xf32, #tpu.memory_space<vmem_shared>>
        tpu.wait_indirect_dma semaphore(%run_scoped3A : memref<!tpu.dma_semaphore, #tpu.memory_space<semaphore_mem>>) src(%arg9 : memref<128x128xf32, #tpu.memory_space<vmem>>) dst(%dma_wait3A_35 : memref<10112x128xf32, #tpu.memory_space<vmem_shared>>)
        tpu.yield
      }) : () -> ()
    }
    %scan3A_7 = arith.constant 80 : i32
    %barrier3A_8 = arith.constant 0 : index
    tpu.barrier barrier_id(%barrier3A_8)
    %mul3A_9 = arith.constant 632 : i32
    %mul3A_10 = arith.muli %arg1, %mul3A_9 : i32
    %mul3A_11 = arith.constant 632 : i32
    %mul3A_12 = arith.muli %arg1, %mul3A_11 : i32
    "tpu.region"() ({
      %run_scoped3A = tpu.sem_alloc : memref<!tpu.dma_semaphore, #tpu.memory_space<semaphore_mem>>
      %dma_start3A = arith.constant 0 : i32
      %dma_start3A_13 = tpu.memref_slice %arg6[%arg0, %mul3A_12, %dma_start3A] : memref<2x10112x128xf32, #tpu.memory_space<hbm>> -> memref<1x632x128xf32, #tpu.memory_space<hbm>>
      %dma_start3A_14 = tpu.memref_squeeze %dma_start3A_13 : memref<1x632x128xf32, #tpu.memory_space<hbm>> -> memref<632x128xf32, #tpu.memory_space<hbm>>
      %dma_start3A_15 = arith.constant 0 : i32
      %dma_start3A_16 = tpu.memref_slice %arg10[%mul3A_10, %dma_start3A_15] : memref<10112x128xf32, #tpu.memory_space<vmem_shared>> -> memref<632x128xf32, #tpu.memory_space<vmem_shared>>
      tpu.enqueue_dma source(%dma_start3A_16 : memref<632x128xf32, #tpu.memory_space<vmem_shared>>) target(%dma_start3A_14 : memref<632x128xf32, #tpu.memory_space<hbm>>) target_semaphore(%run_scoped3A : memref<!tpu.dma_semaphore, #tpu.memory_space<semaphore_mem>>)
      %dma_wait3A = arith.constant 0 : i32
      %dma_wait3A_17 = tpu.memref_slice %arg6[%arg0, %mul3A_12, %dma_wait3A] : memref<2x10112x128xf32, #tpu.memory_space<hbm>> -> memref<1x632x128xf32, #tpu.memory_space<hbm>>
      %dma_wait3A_18 = tpu.memref_squeeze %dma_wait3A_17 : memref<1x632x128xf32, #tpu.memory_space<hbm>> -> memref<632x128xf32, #tpu.memory_space<hbm>>
      %dma_wait3A_19 = arith.constant 0 : i32
      %dma_wait3A_20 = tpu.memref_slice %arg10[%mul3A_10, %dma_wait3A_19] : memref<10112x128xf32, #tpu.memory_space<vmem_shared>> -> memref<632x128xf32, #tpu.memory_space<vmem_shared>>
      tpu.wait_dma2 semaphore(%run_scoped3A : memref<!tpu.dma_semaphore, #tpu.memory_space<semaphore_mem>>) src(%dma_wait3A_20 : memref<632x128xf32, #tpu.memory_space<vmem_shared>>) dst(%dma_wait3A_18 : memref<632x128xf32, #tpu.memory_space<hbm>>)
      tpu.yield
    }) : () -> ()
    return
  }
}

#map = affine_map<(d0, d1) -> (0, 0)>
#map1 = affine_map<(d0, d1) -> (0, 0, 0)>
module attributes {stable_mosaic.version = 14 : i64} {
  func.func @_sc_agg_body(%arg0: i32, %arg1: i32, %arg2: memref<10000x128xf32, #tpu.memory_space<hbm>>, %arg3: memref<32x80x128xi32, #tpu.memory_space<hbm>>, %arg4: memref<32x80x128xi32, #tpu.memory_space<hbm>>, %arg5: memref<632x128xf32, #tpu.memory_space<hbm>>, %arg6: memref<2x10112x128xf32, #tpu.memory_space<hbm>>, %arg7: memref<80x128xi32, #tpu.memory_space<vmem>>, %arg8: memref<80x128xi32, #tpu.memory_space<vmem>>, %arg9: memref<128x128xf32, #tpu.memory_space<vmem>>, %arg10: memref<10112x128xf32, #tpu.memory_space<vmem_shared>>, %arg11: memref<!tpu.dma_semaphore, #tpu.memory_space<semaphore_mem>>) attributes {dimension_semantics = [#tpu.dimension_semantics<core_parallel>, #tpu.dimension_semantics<subcore_parallel>], iteration_bounds = array<i64: 2, 16>, scalar_prefetch = 0 : i64, scratch_operands = 5 : i64, tpu.core_type = #tpu.core_type<sc_vector_subcore>, window_params = [{transform_indices = #map}, {transform_indices = #map1}, {transform_indices = #map1}, {transform_indices = #map}, {transform_indices = #map1}]} {
    %mul3A = arith.constant 2 : i32
    %mul3A_0 = arith.muli %arg1, %mul3A : i32
    %add3A = arith.addi %mul3A_0, %arg0 : i32
    %mul3A_1 = arith.constant 632 : i32
    %mul3A_2 = arith.muli %arg1, %mul3A_1 : i32
    "tpu.region"() ({
      %run_scoped3A = tpu.sem_alloc : memref<!tpu.dma_semaphore, #tpu.memory_space<semaphore_mem>>
      %dma_start3A = arith.constant 0 : i32
      %dma_start3A_13 = tpu.memref_slice %arg10[%mul3A_2, %dma_start3A] : memref<10112x128xf32, #tpu.memory_space<vmem_shared>> -> memref<632x128xf32, #tpu.memory_space<vmem_shared>>
      tpu.enqueue_dma source(%arg5 : memref<632x128xf32, #tpu.memory_space<hbm>>) target(%dma_start3A_13 : memref<632x128xf32, #tpu.memory_space<vmem_shared>>) target_semaphore(%run_scoped3A : memref<!tpu.dma_semaphore, #tpu.memory_space<semaphore_mem>>)
      %dma_wait3A = arith.constant 0 : i32
      %dma_wait3A_14 = tpu.memref_slice %arg10[%mul3A_2, %dma_wait3A] : memref<10112x128xf32, #tpu.memory_space<vmem_shared>> -> memref<632x128xf32, #tpu.memory_space<vmem_shared>>
      tpu.wait_dma2 semaphore(%run_scoped3A : memref<!tpu.dma_semaphore, #tpu.memory_space<semaphore_mem>>) src(%arg5 : memref<632x128xf32, #tpu.memory_space<hbm>>) dst(%dma_wait3A_14 : memref<632x128xf32, #tpu.memory_space<vmem_shared>>)
      tpu.yield
    }) : () -> ()
    "tpu.region"() ({
      %run_scoped3A = tpu.sem_alloc : memref<!tpu.dma_semaphore, #tpu.memory_space<semaphore_mem>>
      %dma_start3A = arith.constant 0 : i32
      %dma_start3A_13 = arith.constant 0 : i32
      %dma_start3A_14 = tpu.memref_slice %arg3[%add3A, %dma_start3A, %dma_start3A_13] : memref<32x80x128xi32, #tpu.memory_space<hbm>> -> memref<1x80x128xi32, #tpu.memory_space<hbm>>
      %dma_start3A_15 = tpu.memref_squeeze %dma_start3A_14 : memref<1x80x128xi32, #tpu.memory_space<hbm>> -> memref<80x128xi32, #tpu.memory_space<hbm>>
      %dma_start3A_16 = arith.constant 0 : i32
      %dma_start3A_17 = arith.constant 0 : i32
      %dma_start3A_18 = tpu.memref_slice %arg3[%add3A, %dma_start3A_16, %dma_start3A_17] : memref<32x80x128xi32, #tpu.memory_space<hbm>> -> memref<1x80x128xi32, #tpu.memory_space<hbm>>
      %dma_start3A_19 = tpu.memref_squeeze %dma_start3A_18 : memref<1x80x128xi32, #tpu.memory_space<hbm>> -> memref<80x128xi32, #tpu.memory_space<hbm>>
      tpu.enqueue_dma source(%dma_start3A_19 : memref<80x128xi32, #tpu.memory_space<hbm>>) target(%arg7 : memref<80x128xi32, #tpu.memory_space<vmem>>) target_semaphore(%run_scoped3A : memref<!tpu.dma_semaphore, #tpu.memory_space<semaphore_mem>>)
      %dma_wait3A = arith.constant 0 : i32
      %dma_wait3A_20 = arith.constant 0 : i32
      %dma_wait3A_21 = tpu.memref_slice %arg3[%add3A, %dma_wait3A, %dma_wait3A_20] : memref<32x80x128xi32, #tpu.memory_space<hbm>> -> memref<1x80x128xi32, #tpu.memory_space<hbm>>
      %dma_wait3A_22 = tpu.memref_squeeze %dma_wait3A_21 : memref<1x80x128xi32, #tpu.memory_space<hbm>> -> memref<80x128xi32, #tpu.memory_space<hbm>>
      %dma_wait3A_23 = arith.constant 0 : i32
      %dma_wait3A_24 = arith.constant 0 : i32
      %dma_wait3A_25 = tpu.memref_slice %arg3[%add3A, %dma_wait3A_23, %dma_wait3A_24] : memref<32x80x128xi32, #tpu.memory_space<hbm>> -> memref<1x80x128xi32, #tpu.memory_space<hbm>>
      %dma_wait3A_26 = tpu.memref_squeeze %dma_wait3A_25 : memref<1x80x128xi32, #tpu.memory_space<hbm>> -> memref<80x128xi32, #tpu.memory_space<hbm>>
      tpu.wait_dma2 semaphore(%run_scoped3A : memref<!tpu.dma_semaphore, #tpu.memory_space<semaphore_mem>>) src(%dma_wait3A_26 : memref<80x128xi32, #tpu.memory_space<hbm>>) dst(%arg7 : memref<80x128xi32, #tpu.memory_space<vmem>>)
      tpu.yield
    }) : () -> ()
    "tpu.region"() ({
      %run_scoped3A = tpu.sem_alloc : memref<!tpu.dma_semaphore, #tpu.memory_space<semaphore_mem>>
      %dma_start3A = arith.constant 0 : i32
      %dma_start3A_13 = arith.constant 0 : i32
      %dma_start3A_14 = tpu.memref_slice %arg4[%add3A, %dma_start3A, %dma_start3A_13] : memref<32x80x128xi32, #tpu.memory_space<hbm>> -> memref<1x80x128xi32, #tpu.memory_space<hbm>>
      %dma_start3A_15 = tpu.memref_squeeze %dma_start3A_14 : memref<1x80x128xi32, #tpu.memory_space<hbm>> -> memref<80x128xi32, #tpu.memory_space<hbm>>
      %dma_start3A_16 = arith.constant 0 : i32
      %dma_start3A_17 = arith.constant 0 : i32
      %dma_start3A_18 = tpu.memref_slice %arg4[%add3A, %dma_start3A_16, %dma_start3A_17] : memref<32x80x128xi32, #tpu.memory_space<hbm>> -> memref<1x80x128xi32, #tpu.memory_space<hbm>>
      %dma_start3A_19 = tpu.memref_squeeze %dma_start3A_18 : memref<1x80x128xi32, #tpu.memory_space<hbm>> -> memref<80x128xi32, #tpu.memory_space<hbm>>
      tpu.enqueue_dma source(%dma_start3A_19 : memref<80x128xi32, #tpu.memory_space<hbm>>) target(%arg8 : memref<80x128xi32, #tpu.memory_space<vmem>>) target_semaphore(%run_scoped3A : memref<!tpu.dma_semaphore, #tpu.memory_space<semaphore_mem>>)
      %dma_wait3A = arith.constant 0 : i32
      %dma_wait3A_20 = arith.constant 0 : i32
      %dma_wait3A_21 = tpu.memref_slice %arg4[%add3A, %dma_wait3A, %dma_wait3A_20] : memref<32x80x128xi32, #tpu.memory_space<hbm>> -> memref<1x80x128xi32, #tpu.memory_space<hbm>>
      %dma_wait3A_22 = tpu.memref_squeeze %dma_wait3A_21 : memref<1x80x128xi32, #tpu.memory_space<hbm>> -> memref<80x128xi32, #tpu.memory_space<hbm>>
      %dma_wait3A_23 = arith.constant 0 : i32
      %dma_wait3A_24 = arith.constant 0 : i32
      %dma_wait3A_25 = tpu.memref_slice %arg4[%add3A, %dma_wait3A_23, %dma_wait3A_24] : memref<32x80x128xi32, #tpu.memory_space<hbm>> -> memref<1x80x128xi32, #tpu.memory_space<hbm>>
      %dma_wait3A_26 = tpu.memref_squeeze %dma_wait3A_25 : memref<1x80x128xi32, #tpu.memory_space<hbm>> -> memref<80x128xi32, #tpu.memory_space<hbm>>
      tpu.wait_dma2 semaphore(%run_scoped3A : memref<!tpu.dma_semaphore, #tpu.memory_space<semaphore_mem>>) src(%dma_wait3A_26 : memref<80x128xi32, #tpu.memory_space<hbm>>) dst(%arg8 : memref<80x128xi32, #tpu.memory_space<vmem>>)
      tpu.yield
    }) : () -> ()
    %barrier3A = arith.constant 0 : index
    tpu.barrier barrier_id(%barrier3A)
    %scan3A = arith.constant 0 : i32
    %scan3A_3 = arith.constant 0 : i32
    %scan3A_4 = arith.constant 80 : i32
    %scan3A_5 = arith.addi %scan3A_3, %scan3A_4 : i32
    %scan3A_6 = arith.constant 1 : i32
    scf.for %scan3A_13 = %scan3A_3 to %scan3A_5 step %scan3A_6  : i32 {
      %dma_start3A = arith.constant 0 : i32
      %dma_start3A_14 = tpu.memref_slice %arg7[%scan3A_13, %dma_start3A] : memref<80x128xi32, #tpu.memory_space<vmem>> -> memref<1x128xi32, #tpu.memory_space<vmem>>
      %dma_start3A_15 = tpu.memref_squeeze %dma_start3A_14 : memref<1x128xi32, #tpu.memory_space<vmem>> -> memref<128xi32, #tpu.memory_space<vmem>>
      %dma_start3A_16 = arith.constant 0 : i32
      %dma_start3A_17 = arith.constant 0 : i32
      %dma_start3A_18 = tpu.memref_slice %arg2[%dma_start3A_16, %dma_start3A_17] : memref<10000x128xf32, #tpu.memory_space<hbm>> -> memref<10000x128xf32, #tpu.memory_space<hbm>>
      tpu.enqueue_indirect_dma source(%dma_start3A_18 : memref<10000x128xf32, #tpu.memory_space<hbm>>) target(%arg9 : memref<128x128xf32, #tpu.memory_space<vmem>>) offsets(%dma_start3A_15 : memref<128xi32, #tpu.memory_space<vmem>>) semaphore(%arg11 : memref<!tpu.dma_semaphore, #tpu.memory_space<semaphore_mem>>)
      %dma_wait3A = arith.constant 0 : i32
      %dma_wait3A_19 = tpu.memref_slice %arg7[%scan3A_13, %dma_wait3A] : memref<80x128xi32, #tpu.memory_space<vmem>> -> memref<1x128xi32, #tpu.memory_space<vmem>>
      %dma_wait3A_20 = tpu.memref_squeeze %dma_wait3A_19 : memref<1x128xi32, #tpu.memory_space<vmem>> -> memref<128xi32, #tpu.memory_space<vmem>>
      %dma_wait3A_21 = arith.constant 0 : i32
      %dma_wait3A_22 = arith.constant 0 : i32
      %dma_wait3A_23 = tpu.memref_slice %arg2[%dma_wait3A_21, %dma_wait3A_22] : memref<10000x128xf32, #tpu.memory_space<hbm>> -> memref<10000x128xf32, #tpu.memory_space<hbm>>
      tpu.wait_indirect_dma semaphore(%arg11 : memref<!tpu.dma_semaphore, #tpu.memory_space<semaphore_mem>>) src(%dma_wait3A_23 : memref<10000x128xf32, #tpu.memory_space<hbm>>) dst(%arg9 : memref<128x128xf32, #tpu.memory_space<vmem>>)
      "tpu.region"() ({
        %run_scoped3A = tpu.sem_alloc : memref<!tpu.dma_semaphore, #tpu.memory_space<semaphore_mem>>
        %dma_start3A_24 = arith.constant 0 : i32
        %dma_start3A_25 = tpu.memref_slice %arg8[%scan3A_13, %dma_start3A_24] : memref<80x128xi32, #tpu.memory_space<vmem>> -> memref<1x128xi32, #tpu.memory_space<vmem>>
        %dma_start3A_26 = tpu.memref_squeeze %dma_start3A_25 : memref<1x128xi32, #tpu.memory_space<vmem>> -> memref<128xi32, #tpu.memory_space<vmem>>
        %dma_start3A_27 = arith.constant 0 : i32
        %dma_start3A_28 = arith.constant 0 : i32
        %dma_start3A_29 = tpu.memref_slice %arg10[%dma_start3A_27, %dma_start3A_28] : memref<10112x128xf32, #tpu.memory_space<vmem_shared>> -> memref<10112x128xf32, #tpu.memory_space<vmem_shared>>
        tpu.enqueue_indirect_dma source(%arg9 : memref<128x128xf32, #tpu.memory_space<vmem>>) target(%dma_start3A_29 : memref<10112x128xf32, #tpu.memory_space<vmem_shared>>) offsets(%dma_start3A_26 : memref<128xi32, #tpu.memory_space<vmem>>) semaphore(%run_scoped3A : memref<!tpu.dma_semaphore, #tpu.memory_space<semaphore_mem>>) {add = true}
        %dma_wait3A_30 = arith.constant 0 : i32
        %dma_wait3A_31 = tpu.memref_slice %arg8[%scan3A_13, %dma_wait3A_30] : memref<80x128xi32, #tpu.memory_space<vmem>> -> memref<1x128xi32, #tpu.memory_space<vmem>>
        %dma_wait3A_32 = tpu.memref_squeeze %dma_wait3A_31 : memref<1x128xi32, #tpu.memory_space<vmem>> -> memref<128xi32, #tpu.memory_space<vmem>>
        %dma_wait3A_33 = arith.constant 0 : i32
        %dma_wait3A_34 = arith.constant 0 : i32
        %dma_wait3A_35 = tpu.memref_slice %arg10[%dma_wait3A_33, %dma_wait3A_34] : memref<10112x128xf32, #tpu.memory_space<vmem_shared>> -> memref<10112x128xf32, #tpu.memory_space<vmem_shared>>
        tpu.wait_indirect_dma semaphore(%run_scoped3A : memref<!tpu.dma_semaphore, #tpu.memory_space<semaphore_mem>>) src(%arg9 : memref<128x128xf32, #tpu.memory_space<vmem>>) dst(%dma_wait3A_35 : memref<10112x128xf32, #tpu.memory_space<vmem_shared>>)
        tpu.yield
      }) : () -> ()
    }
    %scan3A_7 = arith.constant 80 : i32
    %barrier3A_8 = arith.constant 0 : index
    tpu.barrier barrier_id(%barrier3A_8)
    %mul3A_9 = arith.constant 632 : i32
    %mul3A_10 = arith.muli %arg1, %mul3A_9 : i32
    %mul3A_11 = arith.constant 632 : i32
    %mul3A_12 = arith.muli %arg1, %mul3A_11 : i32
    "tpu.region"() ({
      %run_scoped3A = tpu.sem_alloc : memref<!tpu.dma_semaphore, #tpu.memory_space<semaphore_mem>>
      %dma_start3A = arith.constant 0 : i32
      %dma_start3A_13 = tpu.memref_slice %arg6[%arg0, %mul3A_12, %dma_start3A] : memref<2x10112x128xf32, #tpu.memory_space<hbm>> -> memref<1x632x128xf32, #tpu.memory_space<hbm>>
      %dma_start3A_14 = tpu.memref_squeeze %dma_start3A_13 : memref<1x632x128xf32, #tpu.memory_space<hbm>> -> memref<632x128xf32, #tpu.memory_space<hbm>>
      %dma_start3A_15 = arith.constant 0 : i32
      %dma_start3A_16 = tpu.memref_slice %arg10[%mul3A_10, %dma_start3A_15] : memref<10112x128xf32, #tpu.memory_space<vmem_shared>> -> memref<632x128xf32, #tpu.memory_space<vmem_shared>>
      tpu.enqueue_dma source(%dma_start3A_16 : memref<632x128xf32, #tpu.memory_space<vmem_shared>>) target(%dma_start3A_14 : memref<632x128xf32, #tpu.memory_space<hbm>>) target_semaphore(%run_scoped3A : memref<!tpu.dma_semaphore, #tpu.memory_space<semaphore_mem>>)
      %dma_wait3A = arith.constant 0 : i32
      %dma_wait3A_17 = tpu.memref_slice %arg6[%arg0, %mul3A_12, %dma_wait3A] : memref<2x10112x128xf32, #tpu.memory_space<hbm>> -> memref<1x632x128xf32, #tpu.memory_space<hbm>>
      %dma_wait3A_18 = tpu.memref_squeeze %dma_wait3A_17 : memref<1x632x128xf32, #tpu.memory_space<hbm>> -> memref<632x128xf32, #tpu.memory_space<hbm>>
      %dma_wait3A_19 = arith.constant 0 : i32
      %dma_wait3A_20 = tpu.memref_slice %arg10[%mul3A_10, %dma_wait3A_19] : memref<10112x128xf32, #tpu.memory_space<vmem_shared>> -> memref<632x128xf32, #tpu.memory_space<vmem_shared>>
      tpu.wait_dma2 semaphore(%run_scoped3A : memref<!tpu.dma_semaphore, #tpu.memory_space<semaphore_mem>>) src(%dma_wait3A_20 : memref<632x128xf32, #tpu.memory_space<vmem_shared>>) dst(%dma_wait3A_18 : memref<632x128xf32, #tpu.memory_space<hbm>>)
      tpu.yield
    }) : () -> ()
    return
  }
}

#map = affine_map<(d0, d1) -> (0, 0, 0)>
#map1 = affine_map<(d0, d1) -> (0, 0)>
module attributes {stable_mosaic.version = 14 : i64} {
  func.func @_sc_cnt_body(%arg0: i32, %arg1: i32, %arg2: memref<32x80x128xi32, #tpu.memory_space<hbm>>, %arg3: memref<632x128xf32, #tpu.memory_space<hbm>>, %arg4: memref<128x128xf32, #tpu.memory_space<hbm>>, %arg5: memref<2x10112x128xf32, #tpu.memory_space<hbm>>, %arg6: memref<80x128xi32, #tpu.memory_space<vmem>>, %arg7: memref<128x128xf32, #tpu.memory_space<vmem>>, %arg8: memref<10112x128xf32, #tpu.memory_space<vmem_shared>>) attributes {dimension_semantics = [#tpu.dimension_semantics<core_parallel>, #tpu.dimension_semantics<subcore_parallel>], iteration_bounds = array<i64: 2, 16>, scalar_prefetch = 0 : i64, scratch_operands = 3 : i64, tpu.core_type = #tpu.core_type<sc_vector_subcore>, window_params = [{transform_indices = #map}, {transform_indices = #map1}, {transform_indices = #map1}, {transform_indices = #map}]} {
    %mul3A = arith.constant 2 : i32
    %mul3A_0 = arith.muli %arg1, %mul3A : i32
    %add3A = arith.addi %mul3A_0, %arg0 : i32
    %mul3A_1 = arith.constant 632 : i32
    %mul3A_2 = arith.muli %arg1, %mul3A_1 : i32
    "tpu.region"() ({
      %run_scoped3A = tpu.sem_alloc : memref<!tpu.dma_semaphore, #tpu.memory_space<semaphore_mem>>
      %dma_start3A = arith.constant 0 : i32
      %dma_start3A_13 = tpu.memref_slice %arg8[%mul3A_2, %dma_start3A] : memref<10112x128xf32, #tpu.memory_space<vmem_shared>> -> memref<632x128xf32, #tpu.memory_space<vmem_shared>>
      tpu.enqueue_dma source(%arg3 : memref<632x128xf32, #tpu.memory_space<hbm>>) target(%dma_start3A_13 : memref<632x128xf32, #tpu.memory_space<vmem_shared>>) target_semaphore(%run_scoped3A : memref<!tpu.dma_semaphore, #tpu.memory_space<semaphore_mem>>)
      %dma_wait3A = arith.constant 0 : i32
      %dma_wait3A_14 = tpu.memref_slice %arg8[%mul3A_2, %dma_wait3A] : memref<10112x128xf32, #tpu.memory_space<vmem_shared>> -> memref<632x128xf32, #tpu.memory_space<vmem_shared>>
      tpu.wait_dma2 semaphore(%run_scoped3A : memref<!tpu.dma_semaphore, #tpu.memory_space<semaphore_mem>>) src(%arg3 : memref<632x128xf32, #tpu.memory_space<hbm>>) dst(%dma_wait3A_14 : memref<632x128xf32, #tpu.memory_space<vmem_shared>>)
      tpu.yield
    }) : () -> ()
    "tpu.region"() ({
      %run_scoped3A = tpu.sem_alloc : memref<!tpu.dma_semaphore, #tpu.memory_space<semaphore_mem>>
      %dma_start3A = arith.constant 0 : i32
      %dma_start3A_13 = arith.constant 0 : i32
      %dma_start3A_14 = tpu.memref_slice %arg2[%add3A, %dma_start3A, %dma_start3A_13] : memref<32x80x128xi32, #tpu.memory_space<hbm>> -> memref<1x80x128xi32, #tpu.memory_space<hbm>>
      %dma_start3A_15 = tpu.memref_squeeze %dma_start3A_14 : memref<1x80x128xi32, #tpu.memory_space<hbm>> -> memref<80x128xi32, #tpu.memory_space<hbm>>
      %dma_start3A_16 = arith.constant 0 : i32
      %dma_start3A_17 = arith.constant 0 : i32
      %dma_start3A_18 = tpu.memref_slice %arg2[%add3A, %dma_start3A_16, %dma_start3A_17] : memref<32x80x128xi32, #tpu.memory_space<hbm>> -> memref<1x80x128xi32, #tpu.memory_space<hbm>>
      %dma_start3A_19 = tpu.memref_squeeze %dma_start3A_18 : memref<1x80x128xi32, #tpu.memory_space<hbm>> -> memref<80x128xi32, #tpu.memory_space<hbm>>
      tpu.enqueue_dma source(%dma_start3A_19 : memref<80x128xi32, #tpu.memory_space<hbm>>) target(%arg6 : memref<80x128xi32, #tpu.memory_space<vmem>>) target_semaphore(%run_scoped3A : memref<!tpu.dma_semaphore, #tpu.memory_space<semaphore_mem>>)
      %dma_wait3A = arith.constant 0 : i32
      %dma_wait3A_20 = arith.constant 0 : i32
      %dma_wait3A_21 = tpu.memref_slice %arg2[%add3A, %dma_wait3A, %dma_wait3A_20] : memref<32x80x128xi32, #tpu.memory_space<hbm>> -> memref<1x80x128xi32, #tpu.memory_space<hbm>>
      %dma_wait3A_22 = tpu.memref_squeeze %dma_wait3A_21 : memref<1x80x128xi32, #tpu.memory_space<hbm>> -> memref<80x128xi32, #tpu.memory_space<hbm>>
      %dma_wait3A_23 = arith.constant 0 : i32
      %dma_wait3A_24 = arith.constant 0 : i32
      %dma_wait3A_25 = tpu.memref_slice %arg2[%add3A, %dma_wait3A_23, %dma_wait3A_24] : memref<32x80x128xi32, #tpu.memory_space<hbm>> -> memref<1x80x128xi32, #tpu.memory_space<hbm>>
      %dma_wait3A_26 = tpu.memref_squeeze %dma_wait3A_25 : memref<1x80x128xi32, #tpu.memory_space<hbm>> -> memref<80x128xi32, #tpu.memory_space<hbm>>
      tpu.wait_dma2 semaphore(%run_scoped3A : memref<!tpu.dma_semaphore, #tpu.memory_space<semaphore_mem>>) src(%dma_wait3A_26 : memref<80x128xi32, #tpu.memory_space<hbm>>) dst(%arg6 : memref<80x128xi32, #tpu.memory_space<vmem>>)
      tpu.yield
    }) : () -> ()
    "tpu.region"() ({
      %run_scoped3A = tpu.sem_alloc : memref<!tpu.dma_semaphore, #tpu.memory_space<semaphore_mem>>
      tpu.enqueue_dma source(%arg4 : memref<128x128xf32, #tpu.memory_space<hbm>>) target(%arg7 : memref<128x128xf32, #tpu.memory_space<vmem>>) target_semaphore(%run_scoped3A : memref<!tpu.dma_semaphore, #tpu.memory_space<semaphore_mem>>)
      tpu.wait_dma2 semaphore(%run_scoped3A : memref<!tpu.dma_semaphore, #tpu.memory_space<semaphore_mem>>) src(%arg4 : memref<128x128xf32, #tpu.memory_space<hbm>>) dst(%arg7 : memref<128x128xf32, #tpu.memory_space<vmem>>)
      tpu.yield
    }) : () -> ()
    %barrier3A = arith.constant 0 : index
    tpu.barrier barrier_id(%barrier3A)
    %scan3A = arith.constant 0 : i32
    %scan3A_3 = arith.constant 0 : i32
    %scan3A_4 = arith.constant 80 : i32
    %scan3A_5 = arith.addi %scan3A_3, %scan3A_4 : i32
    %scan3A_6 = arith.constant 1 : i32
    scf.for %scan3A_13 = %scan3A_3 to %scan3A_5 step %scan3A_6  : i32 {
      "tpu.region"() ({
        %run_scoped3A = tpu.sem_alloc : memref<!tpu.dma_semaphore, #tpu.memory_space<semaphore_mem>>
        %dma_start3A = arith.constant 0 : i32
        %dma_start3A_14 = tpu.memref_slice %arg6[%scan3A_13, %dma_start3A] : memref<80x128xi32, #tpu.memory_space<vmem>> -> memref<1x128xi32, #tpu.memory_space<vmem>>
        %dma_start3A_15 = tpu.memref_squeeze %dma_start3A_14 : memref<1x128xi32, #tpu.memory_space<vmem>> -> memref<128xi32, #tpu.memory_space<vmem>>
        %dma_start3A_16 = arith.constant 0 : i32
        %dma_start3A_17 = arith.constant 0 : i32
        %dma_start3A_18 = tpu.memref_slice %arg8[%dma_start3A_16, %dma_start3A_17] : memref<10112x128xf32, #tpu.memory_space<vmem_shared>> -> memref<10112x128xf32, #tpu.memory_space<vmem_shared>>
        tpu.enqueue_indirect_dma source(%arg7 : memref<128x128xf32, #tpu.memory_space<vmem>>) target(%dma_start3A_18 : memref<10112x128xf32, #tpu.memory_space<vmem_shared>>) offsets(%dma_start3A_15 : memref<128xi32, #tpu.memory_space<vmem>>) semaphore(%run_scoped3A : memref<!tpu.dma_semaphore, #tpu.memory_space<semaphore_mem>>) {add = true}
        %dma_wait3A = arith.constant 0 : i32
        %dma_wait3A_19 = tpu.memref_slice %arg6[%scan3A_13, %dma_wait3A] : memref<80x128xi32, #tpu.memory_space<vmem>> -> memref<1x128xi32, #tpu.memory_space<vmem>>
        %dma_wait3A_20 = tpu.memref_squeeze %dma_wait3A_19 : memref<1x128xi32, #tpu.memory_space<vmem>> -> memref<128xi32, #tpu.memory_space<vmem>>
        %dma_wait3A_21 = arith.constant 0 : i32
        %dma_wait3A_22 = arith.constant 0 : i32
        %dma_wait3A_23 = tpu.memref_slice %arg8[%dma_wait3A_21, %dma_wait3A_22] : memref<10112x128xf32, #tpu.memory_space<vmem_shared>> -> memref<10112x128xf32, #tpu.memory_space<vmem_shared>>
        tpu.wait_indirect_dma semaphore(%run_scoped3A : memref<!tpu.dma_semaphore, #tpu.memory_space<semaphore_mem>>) src(%arg7 : memref<128x128xf32, #tpu.memory_space<vmem>>) dst(%dma_wait3A_23 : memref<10112x128xf32, #tpu.memory_space<vmem_shared>>)
        tpu.yield
      }) : () -> ()
    }
    %scan3A_7 = arith.constant 80 : i32
    %barrier3A_8 = arith.constant 0 : index
    tpu.barrier barrier_id(%barrier3A_8)
    %mul3A_9 = arith.constant 632 : i32
    %mul3A_10 = arith.muli %arg1, %mul3A_9 : i32
    %mul3A_11 = arith.constant 632 : i32
    %mul3A_12 = arith.muli %arg1, %mul3A_11 : i32
    "tpu.region"() ({
      %run_scoped3A = tpu.sem_alloc : memref<!tpu.dma_semaphore, #tpu.memory_space<semaphore_mem>>
      %dma_start3A = arith.constant 0 : i32
      %dma_start3A_13 = tpu.memref_slice %arg5[%arg0, %mul3A_12, %dma_start3A] : memref<2x10112x128xf32, #tpu.memory_space<hbm>> -> memref<1x632x128xf32, #tpu.memory_space<hbm>>
      %dma_start3A_14 = tpu.memref_squeeze %dma_start3A_13 : memref<1x632x128xf32, #tpu.memory_space<hbm>> -> memref<632x128xf32, #tpu.memory_space<hbm>>
      %dma_start3A_15 = arith.constant 0 : i32
      %dma_start3A_16 = tpu.memref_slice %arg8[%mul3A_10, %dma_start3A_15] : memref<10112x128xf32, #tpu.memory_space<vmem_shared>> -> memref<632x128xf32, #tpu.memory_space<vmem_shared>>
      tpu.enqueue_dma source(%dma_start3A_16 : memref<632x128xf32, #tpu.memory_space<vmem_shared>>) target(%dma_start3A_14 : memref<632x128xf32, #tpu.memory_space<hbm>>) target_semaphore(%run_scoped3A : memref<!tpu.dma_semaphore, #tpu.memory_space<semaphore_mem>>)
      %dma_wait3A = arith.constant 0 : i32
      %dma_wait3A_17 = tpu.memref_slice %arg5[%arg0, %mul3A_12, %dma_wait3A] : memref<2x10112x128xf32, #tpu.memory_space<hbm>> -> memref<1x632x128xf32, #tpu.memory_space<hbm>>
      %dma_wait3A_18 = tpu.memref_squeeze %dma_wait3A_17 : memref<1x632x128xf32, #tpu.memory_space<hbm>> -> memref<632x128xf32, #tpu.memory_space<hbm>>
      %dma_wait3A_19 = arith.constant 0 : i32
      %dma_wait3A_20 = tpu.memref_slice %arg8[%mul3A_10, %dma_wait3A_19] : memref<10112x128xf32, #tpu.memory_space<vmem_shared>> -> memref<632x128xf32, #tpu.memory_space<vmem_shared>>
      tpu.wait_dma2 semaphore(%run_scoped3A : memref<!tpu.dma_semaphore, #tpu.memory_space<semaphore_mem>>) src(%dma_wait3A_20 : memref<632x128xf32, #tpu.memory_space<vmem_shared>>) dst(%dma_wait3A_18 : memref<632x128xf32, #tpu.memory_space<hbm>>)
      tpu.yield
    }) : () -> ()
    return
  }
}

module attributes {stable_mosaic.version = 14 : i64} {
  func.func @_dense_body(%arg0: memref<2x10112x128xf32, #tpu.memory_space<vmem>>, %arg1: memref<2x10112x128xf32, #tpu.memory_space<vmem>>, %arg2: memref<10000x128xf32, #tpu.memory_space<vmem>>, %arg3: memref<128x128xf32, #tpu.memory_space<vmem>>, %arg4: memref<128x128xf32, #tpu.memory_space<vmem>>, %arg5: memref<1x128xf32, #tpu.memory_space<vmem>>, %arg6: memref<1x128xf32, #tpu.memory_space<vmem>>, %arg7: memref<1x128xf32, #tpu.memory_space<vmem>>, %arg8: memref<10000x128xf32, #tpu.memory_space<vmem>>) attributes {dimension_semantics = [], scalar_prefetch = 0 : i64, scratch_operands = 0 : i64, tpu.core_type = #tpu.core_type<tc>} {
    %get3A = arith.constant 0 : index
    %get3A_0 = arith.constant 0 : index
    %get3A_1 = arith.constant 0 : index
    %get3A_2 = vector.load %arg0[%get3A, %get3A_0, %get3A_1] : memref<2x10112x128xf32, #tpu.memory_space<vmem>>, vector<1x10000x128xf32>
    %get3A_3 = vector.shape_cast %get3A_2 : vector<1x10000x128xf32> to vector<10000x128xf32>
    %get3A_4 = arith.constant 1 : index
    %get3A_5 = arith.constant 0 : index
    %get3A_6 = arith.constant 0 : index
    %get3A_7 = vector.load %arg0[%get3A_4, %get3A_5, %get3A_6] : memref<2x10112x128xf32, #tpu.memory_space<vmem>>, vector<1x10000x128xf32>
    %get3A_8 = vector.shape_cast %get3A_7 : vector<1x10000x128xf32> to vector<10000x128xf32>
    %add3A = arith.addf %get3A_3, %get3A_8 : vector<10000x128xf32>
    %get3A_9 = arith.constant 0 : index
    %get3A_10 = arith.constant 0 : index
    %get3A_11 = arith.constant 0 : index
    %get3A_12 = vector.load %arg1[%get3A_9, %get3A_10, %get3A_11] : memref<2x10112x128xf32, #tpu.memory_space<vmem>>, vector<1x10000x1xf32>
    %get3A_13 = vector.shape_cast %get3A_12 : vector<1x10000x1xf32> to vector<10000x1xf32>
    %get3A_14 = arith.constant 1 : index
    %get3A_15 = arith.constant 0 : index
    %get3A_16 = arith.constant 0 : index
    %get3A_17 = vector.load %arg1[%get3A_14, %get3A_15, %get3A_16] : memref<2x10112x128xf32, #tpu.memory_space<vmem>>, vector<1x10000x1xf32>
    %get3A_18 = vector.shape_cast %get3A_17 : vector<1x10000x1xf32> to vector<10000x1xf32>
    %add3A_19 = arith.addf %get3A_13, %get3A_18 : vector<10000x1xf32>
    %max3A = arith.constant 1.000000e+00 : f32
    %max3A_20 = vector.broadcast %max3A : f32 to vector<10000x1xf32>
    %max3A_21 = arith.maximumf %add3A_19, %max3A_20 : vector<10000x1xf32>
    %div3A = vector.broadcast %max3A_21 : vector<10000x1xf32> to vector<10000x128xf32>
    %div3A_22 = arith.divf %add3A, %div3A : vector<10000x128xf32>
    %get3A_23 = arith.constant 0 : index
    %get3A_24 = arith.constant 0 : index
    %get3A_25 = vector.load %arg2[%get3A_23, %get3A_24] : memref<10000x128xf32, #tpu.memory_space<vmem>>, vector<10000x128xf32>
    %get3A_26 = arith.constant 0 : index
    %get3A_27 = arith.constant 0 : index
    %get3A_28 = vector.load %arg3[%get3A_26, %get3A_27] : memref<128x128xf32, #tpu.memory_space<vmem>>, vector<128x128xf32>
    %dot_general3A = arith.constant dense<0.000000e+00> : vector<10000x128xf32>
    %dot_general3A_29 = tpu.matmul %div3A_22, %get3A_28, %dot_general3A {dimension_numbers = #tpu.dot_dimension_numbers<[1], [0], [0], [1], [0, 0, 1, 1], [], []>, transpose_lhs_hint = false} : vector<10000x128xf32>, vector<128x128xf32>, vector<10000x128xf32> -> vector<10000x128xf32>
    %get3A_30 = arith.constant 0 : index
    %get3A_31 = arith.constant 0 : index
    %get3A_32 = vector.load %arg4[%get3A_30, %get3A_31] : memref<128x128xf32, #tpu.memory_space<vmem>>, vector<128x128xf32>
    %dot_general3A_33 = arith.constant dense<0.000000e+00> : vector<10000x128xf32>
    %dot_general3A_34 = tpu.matmul %get3A_25, %get3A_32, %dot_general3A_33 {dimension_numbers = #tpu.dot_dimension_numbers<[1], [0], [0], [1], [0, 0, 1, 1], [], []>, transpose_lhs_hint = false} : vector<10000x128xf32>, vector<128x128xf32>, vector<10000x128xf32> -> vector<10000x128xf32>
    %add3A_35 = arith.addf %dot_general3A_29, %dot_general3A_34 : vector<10000x128xf32>
    %get3A_36 = arith.constant 0 : index
    %get3A_37 = arith.constant 0 : index
    %get3A_38 = vector.load %arg5[%get3A_36, %get3A_37] : memref<1x128xf32, #tpu.memory_space<vmem>>, vector<1x128xf32>
    %add3A_39 = vector.broadcast %get3A_38 : vector<1x128xf32> to vector<10000x128xf32>
    %add3A_40 = arith.addf %add3A_35, %add3A_39 : vector<10000x128xf32>
    %reduce_sum3A = arith.constant dense<0.000000e+00> : vector<128xf32>
    %reduce_sum3A_41 = vector.multi_reduction <add>, %add3A_40, %reduce_sum3A [0] : vector<10000x128xf32> to vector<128xf32>
    %broadcast_in_dim3A = vector.shape_cast %reduce_sum3A_41 : vector<128xf32> to vector<1x128xf32>
    %div3A_42 = arith.constant 1.000000e+04 : f32
    %div3A_43 = vector.broadcast %div3A_42 : f32 to vector<1x128xf32>
    %div3A_44 = arith.divf %broadcast_in_dim3A, %div3A_43 : vector<1x128xf32>
    %sub3A = vector.broadcast %div3A_44 : vector<1x128xf32> to vector<10000x128xf32>
    %sub3A_45 = arith.subf %add3A_40, %sub3A : vector<10000x128xf32>
    %integer_pow3A = arith.mulf %sub3A_45, %sub3A_45 : vector<10000x128xf32>
    %reduce_sum3A_46 = arith.constant dense<0.000000e+00> : vector<128xf32>
    %reduce_sum3A_47 = vector.multi_reduction <add>, %integer_pow3A, %reduce_sum3A_46 [0] : vector<10000x128xf32> to vector<128xf32>
    %broadcast_in_dim3A_48 = vector.shape_cast %reduce_sum3A_47 : vector<128xf32> to vector<1x128xf32>
    %div3A_49 = arith.constant 1.000000e+04 : f32
    %div3A_50 = vector.broadcast %div3A_49 : f32 to vector<1x128xf32>
    %div3A_51 = arith.divf %broadcast_in_dim3A_48, %div3A_50 : vector<1x128xf32>
    %get3A_52 = arith.constant 0 : index
    %get3A_53 = arith.constant 0 : index
    %get3A_54 = vector.load %arg6[%get3A_52, %get3A_53] : memref<1x128xf32, #tpu.memory_space<vmem>>, vector<1x128xf32>
    %sub3A_55 = vector.broadcast %div3A_44 : vector<1x128xf32> to vector<10000x128xf32>
    %sub3A_56 = arith.subf %add3A_40, %sub3A_55 : vector<10000x128xf32>
    %mul3A = vector.broadcast %get3A_54 : vector<1x128xf32> to vector<10000x128xf32>
    %mul3A_57 = arith.mulf %mul3A, %sub3A_56 : vector<10000x128xf32>
    %add3A_58 = arith.constant 9.99999974E-6 : f32
    %add3A_59 = vector.broadcast %add3A_58 : f32 to vector<1x128xf32>
    %add3A_60 = arith.addf %div3A_51, %add3A_59 : vector<1x128xf32>
    %rsqrt3A = math.rsqrt %add3A_60 : vector<1x128xf32>
    %mul3A_61 = vector.broadcast %rsqrt3A : vector<1x128xf32> to vector<10000x128xf32>
    %mul3A_62 = arith.mulf %mul3A_57, %mul3A_61 : vector<10000x128xf32>
    %get3A_63 = arith.constant 0 : index
    %get3A_64 = arith.constant 0 : index
    %get3A_65 = vector.load %arg7[%get3A_63, %get3A_64] : memref<1x128xf32, #tpu.memory_space<vmem>>, vector<1x128xf32>
    %add3A_66 = vector.broadcast %get3A_65 : vector<1x128xf32> to vector<10000x128xf32>
    %add3A_67 = arith.addf %mul3A_62, %add3A_66 : vector<10000x128xf32>
    %max3A_68 = arith.constant 0.000000e+00 : f32
    %max3A_69 = vector.broadcast %max3A_68 : f32 to vector<10000x128xf32>
    %max3A_70 = arith.maximumf %add3A_67, %max3A_69 : vector<10000x128xf32>
    %add3A_71 = arith.addf %get3A_25, %max3A_70 : vector<10000x128xf32>
    %swap3A = arith.constant 0 : index
    %swap3A_72 = arith.constant 0 : index
    %swap3A_73 = vector.load %arg8[%swap3A, %swap3A_72] : memref<10000x128xf32, #tpu.memory_space<vmem>>, vector<10000x128xf32>
    tpu.vector_store %arg8[%swap3A, %swap3A_72], %add3A_71 {strides = array<i32>} : memref<10000x128xf32, #tpu.memory_space<vmem>>, vector<10000x128xf32>,
    return
  }
}

module attributes {stable_mosaic.version = 14 : i64} {
  func.func @_dense_out_body(%arg0: memref<2x10112x128xf32, #tpu.memory_space<vmem>>, %arg1: memref<2x10112x128xf32, #tpu.memory_space<vmem>>, %arg2: memref<10000x128xf32, #tpu.memory_space<vmem>>, %arg3: memref<128x128xf32, #tpu.memory_space<vmem>>, %arg4: memref<128x128xf32, #tpu.memory_space<vmem>>, %arg5: memref<1x128xf32, #tpu.memory_space<vmem>>, %arg6: memref<1x128xf32, #tpu.memory_space<vmem>>, %arg7: memref<1x128xf32, #tpu.memory_space<vmem>>, %arg8: memref<128x40xf32, #tpu.memory_space<vmem>>, %arg9: memref<1x40xf32, #tpu.memory_space<vmem>>, %arg10: memref<10000x40xf32, #tpu.memory_space<vmem>>) attributes {dimension_semantics = [], scalar_prefetch = 0 : i64, scratch_operands = 0 : i64, tpu.core_type = #tpu.core_type<tc>} {
    %get3A = arith.constant 0 : index
    %get3A_0 = arith.constant 0 : index
    %get3A_1 = arith.constant 0 : index
    %get3A_2 = vector.load %arg0[%get3A, %get3A_0, %get3A_1] : memref<2x10112x128xf32, #tpu.memory_space<vmem>>, vector<1x10000x128xf32>
    %get3A_3 = vector.shape_cast %get3A_2 : vector<1x10000x128xf32> to vector<10000x128xf32>
    %get3A_4 = arith.constant 1 : index
    %get3A_5 = arith.constant 0 : index
    %get3A_6 = arith.constant 0 : index
    %get3A_7 = vector.load %arg0[%get3A_4, %get3A_5, %get3A_6] : memref<2x10112x128xf32, #tpu.memory_space<vmem>>, vector<1x10000x128xf32>
    %get3A_8 = vector.shape_cast %get3A_7 : vector<1x10000x128xf32> to vector<10000x128xf32>
    %add3A = arith.addf %get3A_3, %get3A_8 : vector<10000x128xf32>
    %get3A_9 = arith.constant 0 : index
    %get3A_10 = arith.constant 0 : index
    %get3A_11 = arith.constant 0 : index
    %get3A_12 = vector.load %arg1[%get3A_9, %get3A_10, %get3A_11] : memref<2x10112x128xf32, #tpu.memory_space<vmem>>, vector<1x10000x1xf32>
    %get3A_13 = vector.shape_cast %get3A_12 : vector<1x10000x1xf32> to vector<10000x1xf32>
    %get3A_14 = arith.constant 1 : index
    %get3A_15 = arith.constant 0 : index
    %get3A_16 = arith.constant 0 : index
    %get3A_17 = vector.load %arg1[%get3A_14, %get3A_15, %get3A_16] : memref<2x10112x128xf32, #tpu.memory_space<vmem>>, vector<1x10000x1xf32>
    %get3A_18 = vector.shape_cast %get3A_17 : vector<1x10000x1xf32> to vector<10000x1xf32>
    %add3A_19 = arith.addf %get3A_13, %get3A_18 : vector<10000x1xf32>
    %max3A = arith.constant 1.000000e+00 : f32
    %max3A_20 = vector.broadcast %max3A : f32 to vector<10000x1xf32>
    %max3A_21 = arith.maximumf %add3A_19, %max3A_20 : vector<10000x1xf32>
    %div3A = vector.broadcast %max3A_21 : vector<10000x1xf32> to vector<10000x128xf32>
    %div3A_22 = arith.divf %add3A, %div3A : vector<10000x128xf32>
    %get3A_23 = arith.constant 0 : index
    %get3A_24 = arith.constant 0 : index
    %get3A_25 = vector.load %arg2[%get3A_23, %get3A_24] : memref<10000x128xf32, #tpu.memory_space<vmem>>, vector<10000x128xf32>
    %get3A_26 = arith.constant 0 : index
    %get3A_27 = arith.constant 0 : index
    %get3A_28 = vector.load %arg3[%get3A_26, %get3A_27] : memref<128x128xf32, #tpu.memory_space<vmem>>, vector<128x128xf32>
    %dot_general3A = arith.constant dense<0.000000e+00> : vector<10000x128xf32>
    %dot_general3A_29 = tpu.matmul %div3A_22, %get3A_28, %dot_general3A {dimension_numbers = #tpu.dot_dimension_numbers<[1], [0], [0], [1], [0, 0, 1, 1], [], []>, transpose_lhs_hint = false} : vector<10000x128xf32>, vector<128x128xf32>, vector<10000x128xf32> -> vector<10000x128xf32>
    %get3A_30 = arith.constant 0 : index
    %get3A_31 = arith.constant 0 : index
    %get3A_32 = vector.load %arg4[%get3A_30, %get3A_31] : memref<128x128xf32, #tpu.memory_space<vmem>>, vector<128x128xf32>
    %dot_general3A_33 = arith.constant dense<0.000000e+00> : vector<10000x128xf32>
    %dot_general3A_34 = tpu.matmul %get3A_25, %get3A_32, %dot_general3A_33 {dimension_numbers = #tpu.dot_dimension_numbers<[1], [0], [0], [1], [0, 0, 1, 1], [], []>, transpose_lhs_hint = false} : vector<10000x128xf32>, vector<128x128xf32>, vector<10000x128xf32> -> vector<10000x128xf32>
    %add3A_35 = arith.addf %dot_general3A_29, %dot_general3A_34 : vector<10000x128xf32>
    %get3A_36 = arith.constant 0 : index
    %get3A_37 = arith.constant 0 : index
    %get3A_38 = vector.load %arg5[%get3A_36, %get3A_37] : memref<1x128xf32, #tpu.memory_space<vmem>>, vector<1x128xf32>
    %add3A_39 = vector.broadcast %get3A_38 : vector<1x128xf32> to vector<10000x128xf32>
    %add3A_40 = arith.addf %add3A_35, %add3A_39 : vector<10000x128xf32>
    %reduce_sum3A = arith.constant dense<0.000000e+00> : vector<128xf32>
    %reduce_sum3A_41 = vector.multi_reduction <add>, %add3A_40, %reduce_sum3A [0] : vector<10000x128xf32> to vector<128xf32>
    %broadcast_in_dim3A = vector.shape_cast %reduce_sum3A_41 : vector<128xf32> to vector<1x128xf32>
    %div3A_42 = arith.constant 1.000000e+04 : f32
    %div3A_43 = vector.broadcast %div3A_42 : f32 to vector<1x128xf32>
    %div3A_44 = arith.divf %broadcast_in_dim3A, %div3A_43 : vector<1x128xf32>
    %sub3A = vector.broadcast %div3A_44 : vector<1x128xf32> to vector<10000x128xf32>
    %sub3A_45 = arith.subf %add3A_40, %sub3A : vector<10000x128xf32>
    %integer_pow3A = arith.mulf %sub3A_45, %sub3A_45 : vector<10000x128xf32>
    %reduce_sum3A_46 = arith.constant dense<0.000000e+00> : vector<128xf32>
    %reduce_sum3A_47 = vector.multi_reduction <add>, %integer_pow3A, %reduce_sum3A_46 [0] : vector<10000x128xf32> to vector<128xf32>
    %broadcast_in_dim3A_48 = vector.shape_cast %reduce_sum3A_47 : vector<128xf32> to vector<1x128xf32>
    %div3A_49 = arith.constant 1.000000e+04 : f32
    %div3A_50 = vector.broadcast %div3A_49 : f32 to vector<1x128xf32>
    %div3A_51 = arith.divf %broadcast_in_dim3A_48, %div3A_50 : vector<1x128xf32>
    %get3A_52 = arith.constant 0 : index
    %get3A_53 = arith.constant 0 : index
    %get3A_54 = vector.load %arg6[%get3A_52, %get3A_53] : memref<1x128xf32, #tpu.memory_space<vmem>>, vector<1x128xf32>
    %sub3A_55 = vector.broadcast %div3A_44 : vector<1x128xf32> to vector<10000x128xf32>
    %sub3A_56 = arith.subf %add3A_40, %sub3A_55 : vector<10000x128xf32>
    %mul3A = vector.broadcast %get3A_54 : vector<1x128xf32> to vector<10000x128xf32>
    %mul3A_57 = arith.mulf %mul3A, %sub3A_56 : vector<10000x128xf32>
    %add3A_58 = arith.constant 9.99999974E-6 : f32
    %add3A_59 = vector.broadcast %add3A_58 : f32 to vector<1x128xf32>
    %add3A_60 = arith.addf %div3A_51, %add3A_59 : vector<1x128xf32>
    %rsqrt3A = math.rsqrt %add3A_60 : vector<1x128xf32>
    %mul3A_61 = vector.broadcast %rsqrt3A : vector<1x128xf32> to vector<10000x128xf32>
    %mul3A_62 = arith.mulf %mul3A_57, %mul3A_61 : vector<10000x128xf32>
    %get3A_63 = arith.constant 0 : index
    %get3A_64 = arith.constant 0 : index
    %get3A_65 = vector.load %arg7[%get3A_63, %get3A_64] : memref<1x128xf32, #tpu.memory_space<vmem>>, vector<1x128xf32>
    %add3A_66 = vector.broadcast %get3A_65 : vector<1x128xf32> to vector<10000x128xf32>
    %add3A_67 = arith.addf %mul3A_62, %add3A_66 : vector<10000x128xf32>
    %max3A_68 = arith.constant 0.000000e+00 : f32
    %max3A_69 = vector.broadcast %max3A_68 : f32 to vector<10000x128xf32>
    %max3A_70 = arith.maximumf %add3A_67, %max3A_69 : vector<10000x128xf32>
    %add3A_71 = arith.addf %get3A_25, %max3A_70 : vector<10000x128xf32>
    %get3A_72 = arith.constant 0 : index
    %get3A_73 = arith.constant 0 : index
    %get3A_74 = vector.load %arg8[%get3A_72, %get3A_73] : memref<128x40xf32, #tpu.memory_space<vmem>>, vector<128x40xf32>
    %dot_general3A_75 = arith.constant dense<0.000000e+00> : vector<10000x40xf32>
    %dot_general3A_76 = tpu.matmul %add3A_71, %get3A_74, %dot_general3A_75 {dimension_numbers = #tpu.dot_dimension_numbers<[1], [0], [0], [1], [0, 0, 1, 1], [], []>, transpose_lhs_hint = false} : vector<10000x128xf32>, vector<128x40xf32>, vector<10000x40xf32> -> vector<10000x40xf32>
    %get3A_77 = arith.constant 0 : index
    %get3A_78 = arith.constant 0 : index
    %get3A_79 = vector.load %arg9[%get3A_77, %get3A_78] : memref<1x40xf32, #tpu.memory_space<vmem>>, vector<1x40xf32>
    %add3A_80 = vector.broadcast %get3A_79 : vector<1x40xf32> to vector<10000x40xf32>
    %add3A_81 = arith.addf %dot_general3A_76, %add3A_80 : vector<10000x40xf32>
    %swap3A = arith.constant 0 : index
    %swap3A_82 = arith.constant 0 : index
    %swap3A_83 = vector.load %arg10[%swap3A, %swap3A_82] : memref<10000x40xf32, #tpu.memory_space<vmem>>, vector<10000x40xf32>
    tpu.vector_store %arg10[%swap3A, %swap3A_82], %add3A_81 {strides = array<i32>} : memref<10000x40xf32, #tpu.memory_space<vmem>>, vector<10000x40xf32>,
    return
  }
}

</mosaic_0001>

<sc_bundles>
// kernel: kernel.12.cloned.1.call-start
scs
__scs_entry_jumppad:
0x0: {  	(pc) =	sbr.rel $0x88, $3  }
0x1: {  	(tag) =	ssettag $0x0;
	lr =	simm.s32 $0x1  }
0x2: {  	[smem:$0x3F8E] =	sst lr;
	_ =	strace $0xD0000000  }
0x3: {  	_ = 	snop  }
0x4: {  	_ = 	snop  }
0x5: {  	_ = 	snop  }
0x6: {  	_ = 	snop  }
0x7: {  	_ = 	snop  }
__scs_overlays_trampoline_lowered:
0x8: {  	[smem:$0x3F9D] =	sst s0  }
0x9: {  	[smem:$0x3F9E] =	sst s1  }
0xa: {  	[smem:$0x3F9F] =	sst s2  }
0xb: {  	[smem:$0x3FA0] =	sst s3  }
0xc: {  	[smem:$0x3FA1] =	sst s4  }
0xd: {  	[smem:$0x3FA2] =	sst s5  }
0xe: {  	[smem:$0x3FA3] =	sst s6  }
0xf: {  	[smem:$0x3FA4] =	sst s7  }
0x10: {  	[smem:$0x3FA5] =	sst s8  }
0x11: {  	[smem:$0x3FA6] =	sst s9;
	s0 =	simm.s32 @!p0 $0x0  }
0x12: {  	s1 =	sld [smem:$0x3F8C];
	s0 =	simm.s32 @p0 $0x1  }
0x13: {  	[smem:$0x3FA7] =	sst s0;
	s0 =	simm.s32 @!p1 $0x0  }
0x14: {  	s2 =	sld [smem:$0x3F8B];
	s0 =	simm.s32 @p1 $0x1  }
0x15: {  	[smem:$0x3FA8] =	sst s0;
	s0 =	simm.s32 @!p2 $0x0  }
0x16: {  	s3 =	sld [smem:$0x3FDB];
	s0 =	simm.s32 @p2 $0x1  }
0x17: {  	s4 =	simm.s32 $0x1BF5;
	[smem:$0x3FAA] =	sst s0  }
0x18: {  	s0 =	sld [smem:$0x3F8D];
	_ =	swait.ge [sflag:s4], $0x0  }
0x19: {  	s7 =	sld [smem:$0x3F8E]  }
0x1a: {  	s8 =	sadd.s32 $0xFFFFE003, lr  }
0x1b: {  	s9 =	sadd.s32 $0xFFFFFEF7, lr;
	s5 =	simm.s32 $0xFFFFFFFF;
	p2 =	slt.u32 s8, $0xFFFFF086  }
0x1c: {  	p1 =	slt.u32 s9, $0xF7A;
	s5 =	simm.s32 @!p2 $0x0  }
0x1d: {  	s5 =	simm.s32 @p1 $0x1;
	p0 =	seq.s32 s7, s2  }
0x1e: {  	s7 =	smul.u32 @!p0 $0xF7A, s2;
	p2 =	seq.s32 @!p0 s5, $0x0  }
0x1f: {  	s9 =	smul.u32 $0xF7A, s1;
	s8 =	simm.s32 @!p0 $0x1BF5;
	p2 =	por !p2, p0  }
0x20: {  	[sflag:s8] =	ssyncset.s32 @!p0 $0xFFFFF086;
	s6 =	sadd.s32 @!p0 s3, s7;
	s7 =	simm.s32 @!p0 $0x108  }
0x21: {  	s3 =	sadd.s32 s3, s9;
	s6 =	sadd.s32 @!p0 $0x88, s6;
	s7 =	simm.s32 @p2 $0x1082  }
0x22: {  	[simem:s7], [sflag:s8] =	dma.local @!p0 [hbm:s6], $0xF7A  }
0x23: {  	s9 =	sor.u32 $0xD0000000, s2;
	s6 =	simm.s32 $0x108;
	_ =	swait.ge @!p0 [sflag:s8], $0x0  }
0x24: {  	s3 =	sadd.s32 $0x88, s3;
	s6 =	simm.s32 @!p1 $0x1082;
	[sflag:s4] =	ssyncset.s32 $0xFFFFF086  }
0x25: {  	[simem:s6], [sflag:s4] =	dma.local [hbm:s3], $0xF7A  }
0x26: {  	[smem:$0x3F8E] =	sst s1;
	(tag) =	ssettag s2;
	_ =	strace s9  }
0x27: {  	s1 =	sld [smem:$0x3F9E]  }
0x28: {  	s2 =	sld [smem:$0x3F9F]  }
0x29: {  	s4 =	sld [smem:$0x3FA1]  }
0x2a: {  	p0 =	seq.s32 s5, $0x0;
	s5 =	sld [smem:$0x3FA2]  }
0x2b: {  	s6 =	sld [smem:$0x3FA3]  }
0x2c: {  	s7 =	sld [smem:$0x3FA4]  }
0x2d: {  	s3 =	simm.s32 $0x108;
	s8 =	sld [smem:$0x3FA5]  }
0x2e: {  	s3 =	simm.s32 @!p0 $0x1082;
	s9 =	sld [smem:$0x3FA6]  }
0x2f: {  	lr =	sadd.s32 s0, s3;
	s0 =	sld [smem:$0x3F9D]  }
0x30: {  	s3 =	sld [smem:$0x3FA0]  }
0x31: {  	[smem:$0x3FA9] =	sst s10  }
0x32: {  	s10 =	sld [smem:$0x3FA7];
	_ =	sdelay $0x3  }
0x33: {  	p0 =	seq.s32 s10, $0x1;
	s10 =	sld [smem:$0x3FA9];
	_ =	sdelay $0x3  }
0x34: {  	[smem:$0x3FA9] =	sst s10  }
0x35: {  	s10 =	sld [smem:$0x3FA8];
	_ =	sdelay $0x3  }
0x36: {  	p1 =	seq.s32 s10, $0x1;
	s10 =	sld [smem:$0x3FA9];
	_ =	sdelay $0x3  }
0x37: {  	[smem:$0x3FA9] =	sst s10  }
0x38: {  	s10 =	sld [smem:$0x3FAA]  }
0x39: {  	_ = 	snop;
	(pc) =	sbr.ind lr, $3  }
0x3a: {  	_ = 	snop  }
0x3b: {  	_ = 	snop  }
0x3c: {  	p2 =	seq.s32 s10, $0x1;
	s10 =	sld [smem:$0x3FA9]  }
0x3d: {  	_ =	shalt  }
0x3e: {  	_ =	shalt  }
0x3f: {  	_ =	shalt  }
0x40: {  	_ =	shalt  }
0x41: {  	_ =	shalt  }
0x42: {  	_ =	shalt  }
0x43: {  	_ =	shalt  }
0x44: {  	_ =	shalt  }
0x45: {  	_ =	shalt  }
0x46: {  	_ =	shalt  }
0x47: {  	_ =	shalt  }
0x48: {  	_ =	shalt  }
0x49: {  	_ =	shalt  }
0x4a: {  	_ =	shalt  }
0x4b: {  	_ =	shalt  }
0x4c: {  	_ =	shalt  }
0x4d: {  	_ =	shalt  }
0x4e: {  	_ =	shalt  }
0x4f: {  	_ =	shalt  }
0x50: {  	_ =	shalt  }
0x51: {  	_ =	shalt  }
0x52: {  	_ =	shalt  }
0x53: {  	_ =	shalt  }
0x54: {  	_ =	shalt  }
0x55: {  	_ =	shalt  }
0x56: {  	_ =	shalt  }
0x57: {  	_ =	shalt  }
0x58: {  	_ =	shalt  }
0x59: {  	_ =	shalt  }
0x5a: {  	_ =	shalt  }
0x5b: {  	_ =	shalt  }
0x5c: {  	_ =	shalt  }
0x5d: {  	_ =	shalt  }
0x5e: {  	_ =	shalt  }
0x5f: {  	_ =	shalt  }
0x60: {  	_ =	shalt  }
0x61: {  	_ =	shalt  }
0x62: {  	_ =	shalt  }
0x63: {  	_ =	shalt  }
0x64: {  	_ =	shalt  }
0x65: {  	_ =	shalt  }
0x66: {  	_ =	shalt  }
0x67: {  	_ =	shalt  }
0x68: {  	_ =	shalt  }
0x69: {  	_ =	shalt  }
0x6a: {  	_ =	shalt  }
0x6b: {  	_ =	shalt  }
0x6c: {  	_ =	shalt  }
0x6d: {  	_ =	shalt  }
0x6e: {  	_ =	shalt  }
0x6f: {  	_ =	shalt  }
0x70: {  	_ =	shalt  }
0x71: {  	_ =	shalt  }
0x72: {  	_ =	shalt  }
0x73: {  	_ =	shalt  }
0x74: {  	_ =	shalt  }
0x75: {  	_ =	shalt  }
0x76: {  	_ =	shalt  }
0x77: {  	_ =	shalt  }
0x78: {  	_ =	shalt  }
0x79: {  	_ =	shalt  }
0x7a: {  	_ =	shalt  }
0x7b: {  	_ =	shalt  }
0x7c: {  	_ =	shalt  }
0x7d: {  	_ =	shalt  }
0x7e: {  	_ =	shalt  }
0x7f: {  	_ =	shalt  }
0x80: {  	_ =	shalt  }
0x81: {  	_ =	shalt  }
0x82: {  	_ =	shalt  }
0x83: {  	_ =	shalt  }
0x84: {  	_ =	shalt  }
0x85: {  	_ =	shalt  }
0x86: {  	_ =	shalt  }
0x87: {  	_ =	shalt  }
.Lfunc_end0:
.L_simem_size_0:
called_computation.1_lowered:
.L_overlay_start_0:
0x88: {  	s2 =	sld [smem:$0x3FD9]  }
0x89: {  	s3 =	sld [smem:$0x3FFE];
	_ =	sdelay $0x1  }
0x8a: {  	s1 =	srdreg.scid  }
0x8b: {  	s0 =	sand.u32 $0x1, s1  }
0x8c: {  	s17 =	sshll.u32 s0, $0xA;
	s2 =	sadd.s32 s3, s2  }
0x8d: {  	s2 =	sadd.s32 s2, s17  }
0x8e: {  	[smem:$0x3FB5] =	sst s2  }
0x8f: {  	_ = 	snop  }
0x90: {  	s2 =	sld [smem:$0x3FC9]  }
0x91: {  	s18 =	sld [smem:$0x3FD0];
	(tm) =	ssettm $0x1  }
0x92: {  	s4 =	sld [smem:$0x3FFB];
	_ =	sdelay $0x3  }
0x93: {  	_ =	strace s4  }
0x94: {  	s4 =	sld [smem:$0x3FFC];
	_ =	sdelay $0x3  }
0x95: {  	_ =	strace s4  }
0x96: {  	s4 =	sld [smem:$0x3FFD];
	_ =	sdelay $0x3  }
0x97: {  	_ =	strace s4  }
0x98: {  	_ =	strace $0x8FFFFFFF  }
0x99: {  	s19 =	sld [smem:$0x3FDB];
	_ =	sdelay $0x1  }
0x9a: {  	s5 =	simm.s32 $_scs_section_size  }
0x9b: {  	s6 =	simm.s32 $_size__tile_overlayer_lowered;
	s7 =	simm.s32 $_tile_overlayer_lowered  }
0x9c: {  	s22 =	simm.s32 $0x1BFF;
	s21 =	sshll.u32 s7, $0x1;
	s4 =	sadd.s32 s5, s19  }
0x9d: {  	s8 =	simm.s32 $0x0;
	s20 =	sshll.u32 s6, $0x1;
	s6 =	sadd.s32 s21, s4  }
0x9e: {  	[timem:s8], [sflag:s22] =	dma.local [hbm:s6], s20  }
0x9f: {  	_ =	swait.ge [sflag:s22], s20  }
0xa0: {  	s5 =	ssub.s32 $0x0, s20;
	[sflag:s22] =	ssyncset.done $0x0  }
0xa1: {  	[sflag:s22] =	ssyncadd.s32 s5;
	_ =	sdelay $0x1  }
0xa2: {  	s23 =	simm.s32 $0x1B8B  }
0xa3: {  	_ =	swait.ge [sflag:s23], $0x1  }
0xa4: {  	[sflag:s23] =	ssyncset.done $0x0  }
0xa5: {  	s25 =	simm.s32 $0x1B8E;
	s24 =	sld [smem:$0x3FFE];
	[sflag:s23] =	ssyncadd.s32 $0xFFFFFFFF  }
0xa6: {  	s26 =	simm.s32 $execute0_lowered;
	[smem:$0x3FD2] =	sst s25  }
0xa7: {  	s6 =	sshll.u32 s26, $0x1;
	_ =	strace $0x80000046;
	[dreg:$0x1] =	wrdreg $0xFFFFFFFF  }
0xa8: {  	s28 =	simm.s32 $_size_execute0_lowered;
	s4 =	sadd.s32 s4, s6;
	[dreg:$0x0] =	wrdreg $0x0  }
0xa9: {  	s6 =	sshll.u32 s28, $0x1;
	[dreg:$0x2] =	wrdreg s4  }
0xaa: {  	[dreg:$0x3] =	wrdreg s6  }
0xab: {  	[dreg:$0x4] =	wrdreg $0xC0  }
0xac: {  	_ =	task [dreg:s8], $0x5FFFF  }
0xad: {  	[dreg:$0x1] =	wrdreg $0xFFFFFFFF  }
0xae: {  	[dreg:$0x0] =	wrdreg $0x60  }
0xaf: {  	[dreg:$0x2] =	wrdreg s2  }
0xb0: {  	[dreg:$0x3] =	wrdreg s18  }
0xb1: {  	[dreg:$0x4] =	wrdreg s24  }
0xb2: {  	[dreg:$0x5] =	wrdreg $0x90000  }
0xb3: {  	[dreg:$0x6] =	wrdreg $0xA  }
0xb4: {  	_ =	task.clear_ibuf [dreg:s8], $0x7FFFF;
	_ =	strace $0x90000046  }
0xb5: {  	s29 =	simm.s32 $0xA;
	_ =	strace $0x80000048  }
0xb6: {  	_ =	swait.ge [sflag:s29], $0x1  }
0xb7: {  	[sflag:s29] =	ssyncadd.s32 $0xFFFFFFFF  }
0xb8: {  	_ =	strace $0x90000048  }
0xb9: {  	_ =	sfence  }
0xba: {  	s30 =	sld [smem:$0x0];
	_ =	sdelay $0x2  }
0xbb: {  	s31 =	sshll.u32 s1, $0xD;
	s1 =	sshrl.u32 s1, $0x2  }
0xbc: {  	s3 =	sand.u32 $0x4000, s31;
	s1 =	sadd.s32 s1, s30  }
0xbd: {  	s0 =	sor.u32 s3, s0;
	s1 =	sshll.u32 s1, $0x11  }
0xbe: {  	s0 =	sor.u32 s1, s0  }
0xbf: {  	s0 =	sadd.s32 $0x8F2B, s0  }
0xc0: {  	[sflag:s0] =	ssyncadd.remote.s32 $0x1  }
0xc1: {  	_ =	sfence.sel $0xFFFF  }
0xc2: {  	[dreg:$0x0] =	wrdreg $0xFFFFFFFF;
	(pc) =	sbr.abs _section_cstart, $3  }
0xc3: {  	[dreg:$0x1] =	wrdreg $0xFFFFFFFF  }
0xc4: {  	_ =	task.clear_ibuf [dreg:s8], $0x2FFFF;
	_ =	strace $0x9FFFFFFF  }
0xc5: {  	(tm) =	ssettm $0x7FFFFFFF  }
tec
execute0_lowered:
.L_overlay_start_1:
0x0: {  	(tag) =	ssettag $0x1  }
0x1: {  	s1 =	rddreg [dreg:$0x0]  }
0x2: {  	s7 =	rddreg [dreg:$0x1]  }
0x3: {  	s2 =	srdreg.scid;
	s8 =	rddreg [dreg:$0x2]  }
0x4: {  	s0 =	stileid.u32;
	s3 =	rddreg [dreg:$0x3];
	s4 =	simm.s32 $0x0  }
0x5: {  	s14 =	simm.s32 $0x80;
	s15 =	simm.s32 $0x5000;
	s16 =	simm.s32 $0x1  }
0x6: {  	s17 =	simm.s32 $0x0;
	s6 =	sand.u32 $0x1, s2;
	s10 =	smul.u32 $0x13C00, s0  }
0x7: {  	s29 =	sshll.u32 s0, $0x1;
	[smem:$0x7FF] =	sst s4;
	s12 =	smul.u32 $0x4F000, s0  }
0x8: {  	s31 =	sshll.u32 s0, $0x6;
	s2 =	sor.u32 s6, s29;
	s5 =	smul.u32 $0x13C000, s6  }
0x9: {  	s6 =	ssub.s32 $0x2, s6;
	s9 =	smul.u32 $0x500, s2;
	s2 =	rddreg [dreg:$0x4]  }
0xa: {  	_ =	strace $0x80000047;
	s30 =	sshrl.u32 s6, $0x1;
	s12 =	sshrl.u32 s12, $0x2  }
0xb: {  	s10 =	sadd.s32 s10, s5;
	s5 =	sadd.s32 $0xE200, s8;
	s13 =	ssub.s32 s6, s30  }
0xc: {  	s12 =	sadd.s32 s12, s3;
	s6 =	sor.u32 $0x1C02, s31;
	s10 =	sshrl.u32 s10, $0x3  }
0xd: {  	s11 =	sadd.s32 s9, s8;
	s7 =	sadd.s32 s7, s9;
	s10 =	sadd.s32 s10, s8  }
0xe: {  	s8 =	sadd.s32 $0x4200, s11;
	s11 =	sshrl.u32 s12, $0x3;
	s12 =	simm.s32 $0x2  }
0xf: {  	s9 =	sadd.s32 $0x10A00, s10;
	s10 =	smax.u32 s13, $0x1;
	s13 =	simm.s32 $0x2800  }
.LBB2_1:
0x10: {  	[spmem:s11], [sflag:s6] =	dma.local [hbm:s5], $0x2780  }
0x11: {  	_ =	swait.ge [sflag:s12], $0x2780  }
0x12: {  	[sflag:s12] =	ssyncset.done $0x0  }
0x13: {  	[sflag:s12] =	ssyncadd.s32 $0xFFFFD880  }
0x14: {  	[tilespmem:s4], [sflag:$0x2] =	stream.linear.gather [hbm4b:s7+s4], $0x2800, $0x38;
	[tilespmem:$0x1CC00] =	vst v63  }
0x15: {  	_ =	swait.ge [sflag:s12], $0x2800  }
0x16: {  	[sflag:s12] =	ssyncset.done $0x0  }
0x17: {  	[sflag:s12] =	ssyncadd.s32 $0xFFFFD800  }
0x18: {  	[tilespmem:s13], [sflag:$0x2] =	stream.linear.gather [hbm4b:s8+s4], $0x2800, $0x38;
	[tilespmem:$0x1CC00] =	vst v63  }
0x19: {  	_ =	swait.ge [sflag:s12], $0x2800  }
0x1a: {  	[sflag:s12] =	ssyncset.done $0x0  }
0x1b: {  	[sflag:s12] =	ssyncadd.s32 $0xFFFFD800  }
0x1c: {  	s18 =	simm.s32 $0x0;
	[bflag:$0x0] =	sbarrier.arrive $0xFFFF  }
0x1d: {  	[tilespmem:s15], [sflag:$0x1] =	stream.indirect.gather [hbm4b:s1+s14], $0x80, s18, s14, $0xb8;
	[tilespmem:$0x1CC00] =	vst v63  }
0x1e: {  	_ =	swait.ge [sflag:s16], $0x4000  }
0x1f: {  	[sflag:s16] =	ssyncset.done $0x0  }
0x20: {  	s31 =	simm.s32 $0x2800;
	[sflag:s16] =	ssyncadd.s32 $0xFFFFC000  }
0x21: {  	[spmem:s3] =	stream.indirect.scatter.add.f32 [tilespmem:s15], [sflag:$0x2], $0x80, s31, s14, $0xb8;
	[tilespmem:$0x1CC00] =	vst v63  }
0x22: {  	_ =	swait.ge [sflag:s12], $0x4000  }
0x23: {  	s19 =	simm.s32 $0x400;
	s18 =	simm.s32 $0x200;
	[sflag:s12] =	ssyncset.done $0x0  }
.LBB2_2:
0x24: {  	s20 =	sshra.s32 s18, $0x2  }
0x25: {  	[sflag:s12] =	ssyncadd.s32 $0xFFFFC000;
	s18 =	smov.u32 s19;
	s21 =	sadd.s32 $0x200, s19  }
0x26: {  	[tilespmem:s15], [sflag:$0x1] =	stream.indirect.gather [hbm4b:s1+s14], $0x80, s20, s14, $0xb8;
	[tilespmem:$0x1CC00] =	vst v63  }
0x27: {  	p0 =	sne.s32 s19, $0x9E00;
	_ =	swait.ge [sflag:s16], $0x4000  }
.Ltmp0:
0x28: {  	[sflag:s16] =	ssyncset.done $0x0;
	(pc) =	sbr.rel @p0 .LBB2_2-.Ltmp0, $4  }
0x29: {  	s19 =	sadd.s32 $0x2800, s20;
	[sflag:s16] =	ssyncadd.s32 $0xFFFFC000  }
0x2a: {  	[spmem:s3] =	stream.indirect.scatter.add.f32 [tilespmem:s15], [sflag:$0x2], $0x80, s19, s14, $0xb8;
	[tilespmem:$0x1CC00] =	vst v63  }
0x2b: {  	_ =	swait.ge [sflag:s12], $0x4000  }
0x2c: {  	s19 =	smov.u32 s21;
	[sflag:s12] =	ssyncset.done $0x0  }
0x2d: {  	s18 =	sshra.s32 s18, $0x2;
	[sflag:s12] =	ssyncadd.s32 $0xFFFFC000  }
0x2e: {  	[tilespmem:s15], [sflag:$0x1] =	stream.indirect.gather [hbm4b:s1+s14], $0x80, s18, s14, $0xb8;
	[tilespmem:$0x1CC00] =	vst v63  }
0x2f: {  	_ =	swait.ge [sflag:s16], $0x4000  }
0x30: {  	[sflag:s16] =	ssyncset.done $0x0  }
0x31: {  	s18 =	sadd.s32 $0x2800, s18;
	[sflag:s16] =	ssyncadd.s32 $0xFFFFC000  }
0x32: {  	[spmem:s3] =	stream.indirect.scatter.add.f32 [tilespmem:s15], [sflag:$0x2], $0x80, s18, s14, $0xb8;
	[tilespmem:$0x1CC00] =	vst v63  }
0x33: {  	_ =	swait.ge [sflag:s12], $0x4000  }
0x34: {  	s17 =	sadd.s32 $0x1, s17;
	[sflag:s12] =	ssyncset.done $0x0  }
0x35: {  	p0 =	sne.s32 s17, s10;
	[sflag:s12] =	ssyncadd.s32 $0xFFFFC000  }
.Ltmp1:
0x36: {  	[bflag:$0x0] =	sbarrier.arrive $0xFFFF;
	(pc) =	sbr.rel @p0 .LBB2_1-.Ltmp1, $4  }
0x37: {  	[hbm:s9], [sflag:s6] =	dma.local [spmem:s11], $0x2780  }
0x38: {  	_ =	swait.ge [sflag:s12], $0x2780  }
0x39: {  	[sflag:s12] =	ssyncset.done $0x0  }
0x3a: {  	[sflag:s12] =	ssyncadd.s32 $0xFFFFD880  }
0x3b: {  	_ =	sfence.sel $0x180000  }
0x3c: {  	[bflag:$0x0] =	sbarrier.arrive $0xFFFF  }
0x3d: {  	p0 =	sne.s32 s0, $0x0;
	_ =	strace $0x90000047  }
0x3e: {  	s0 =	sadd.s32 @!p0 $0x100000, s2;
	[bflag:$0x2] =	sbarrier.arrive $0xFFFF  }
0x3f: {  	[sflag:s0] =	ssyncadd.tile.s32 @!p0 $0x1;
	_ =	shalt  }
.Lfunc_end2:
_tile_overlayer_lowered:
.L_overlay_start_2:
0x40: {  	(tag) =	ssettag $0x2  }
0x41: {  	s0 =	rddreg [dreg:$0x0];
	s2 =	stileid.u32  }
0x42: {  	s1 =	rddreg [dreg:$0x1];
	p0 =	sne.s32 s2, $0x0  }
0x43: {  	s3 =	rddreg [dreg:$0x2];
	[bflag:$0x3] =	sbarrier.arrive $0xFFFF;
	s2 =	simm.s32 @!p0 $0x1C02  }
0x44: {  	[timem:s3], [sflag:s2] =	dma.local @!p0 [hbm:s0], s1  }
0x45: {  	s0 =	simm.s32 @!p0 $0x2  }
0x46: {  	_ =	swait.ge @!p0 [sflag:s0], s1  }
0x47: {  	s1 =	ssub.s32 @!p0 $0x0, s1;
	[sflag:s0] =	ssyncset.done @!p0 $0x0  }
0x48: {  	[sflag:s0] =	ssyncadd.s32 @!p0 s1  }
0x49: {  	[bflag:$0x3] =	sbarrier.arrive $0xFFFF  }
0x4a: {  	_ =	shalt  }

// kernel: kernel.15.cloned.1.call-start
scs
__scs_entry_jumppad:
0x0: {  	(pc) =	sbr.rel $0x88, $3  }
0x1: {  	(tag) =	ssettag $0x0;
	lr =	simm.s32 $0x1  }
0x2: {  	[smem:$0x3F8E] =	sst lr;
	_ =	strace $0xD0000000  }
0x3: {  	_ = 	snop  }
0x4: {  	_ = 	snop  }
0x5: {  	_ = 	snop  }
0x6: {  	_ = 	snop  }
0x7: {  	_ = 	snop  }
__scs_overlays_trampoline_lowered:
0x8: {  	[smem:$0x3F9D] =	sst s0  }
0x9: {  	[smem:$0x3F9E] =	sst s1  }
0xa: {  	[smem:$0x3F9F] =	sst s2  }
0xb: {  	[smem:$0x3FA0] =	sst s3  }
0xc: {  	[smem:$0x3FA1] =	sst s4  }
0xd: {  	[smem:$0x3FA2] =	sst s5  }
0xe: {  	[smem:$0x3FA3] =	sst s6  }
0xf: {  	[smem:$0x3FA4] =	sst s7  }
0x10: {  	[smem:$0x3FA5] =	sst s8  }
0x11: {  	[smem:$0x3FA6] =	sst s9;
	s0 =	simm.s32 @!p0 $0x0  }
0x12: {  	s1 =	sld [smem:$0x3F8C];
	s0 =	simm.s32 @p0 $0x1  }
0x13: {  	[smem:$0x3FA7] =	sst s0;
	s0 =	simm.s32 @!p1 $0x0  }
0x14: {  	s2 =	sld [smem:$0x3F8B];
	s0 =	simm.s32 @p1 $0x1  }
0x15: {  	[smem:$0x3FA8] =	sst s0;
	s0 =	simm.s32 @!p2 $0x0  }
0x16: {  	s3 =	sld [smem:$0x3FDB];
	s0 =	simm.s32 @p2 $0x1  }
0x17: {  	s4 =	simm.s32 $0x1BF5;
	[smem:$0x3FAA] =	sst s0  }
0x18: {  	s0 =	sld [smem:$0x3F8D];
	_ =	swait.ge [sflag:s4], $0x0  }
0x19: {  	s7 =	sld [smem:$0x3F8E]  }
0x1a: {  	s8 =	sadd.s32 $0xFFFFE003, lr  }
0x1b: {  	s9 =	sadd.s32 $0xFFFFFEF7, lr;
	s5 =	simm.s32 $0xFFFFFFFF;
	p2 =	slt.u32 s8, $0xFFFFF086  }
0x1c: {  	p1 =	slt.u32 s9, $0xF7A;
	s5 =	simm.s32 @!p2 $0x0  }
0x1d: {  	s5 =	simm.s32 @p1 $0x1;
	p0 =	seq.s32 s7, s2  }
0x1e: {  	s7 =	smul.u32 @!p0 $0xF7A, s2;
	p2 =	seq.s32 @!p0 s5, $0x0  }
0x1f: {  	s9 =	smul.u32 $0xF7A, s1;
	s8 =	simm.s32 @!p0 $0x1BF5;
	p2 =	por !p2, p0  }
0x20: {  	[sflag:s8] =	ssyncset.s32 @!p0 $0xFFFFF086;
	s6 =	sadd.s32 @!p0 s3, s7;
	s7 =	simm.s32 @!p0 $0x108  }
0x21: {  	s3 =	sadd.s32 s3, s9;
	s6 =	sadd.s32 @!p0 $0x88, s6;
	s7 =	simm.s32 @p2 $0x1082  }
0x22: {  	[simem:s7], [sflag:s8] =	dma.local @!p0 [hbm:s6], $0xF7A  }
0x23: {  	s9 =	sor.u32 $0xD0000000, s2;
	s6 =	simm.s32 $0x108;
	_ =	swait.ge @!p0 [sflag:s8], $0x0  }
0x24: {  	s3 =	sadd.s32 $0x88, s3;
	s6 =	simm.s32 @!p1 $0x1082;
	[sflag:s4] =	ssyncset.s32 $0xFFFFF086  }
0x25: {  	[simem:s6], [sflag:s4] =	dma.local [hbm:s3], $0xF7A  }
0x26: {  	[smem:$0x3F8E] =	sst s1;
	(tag) =	ssettag s2;
	_ =	strace s9  }
0x27: {  	s1 =	sld [smem:$0x3F9E]  }
0x28: {  	s2 =	sld [smem:$0x3F9F]  }
0x29: {  	s4 =	sld [smem:$0x3FA1]  }
0x2a: {  	p0 =	seq.s32 s5, $0x0;
	s5 =	sld [smem:$0x3FA2]  }
0x2b: {  	s6 =	sld [smem:$0x3FA3]  }
0x2c: {  	s7 =	sld [smem:$0x3FA4]  }
0x2d: {  	s3 =	simm.s32 $0x108;
	s8 =	sld [smem:$0x3FA5]  }
0x2e: {  	s3 =	simm.s32 @!p0 $0x1082;
	s9 =	sld [smem:$0x3FA6]  }
0x2f: {  	lr =	sadd.s32 s0, s3;
	s0 =	sld [smem:$0x3F9D]  }
0x30: {  	s3 =	sld [smem:$0x3FA0]  }
0x31: {  	[smem:$0x3FA9] =	sst s10  }
0x32: {  	s10 =	sld [smem:$0x3FA7];
	_ =	sdelay $0x3  }
0x33: {  	p0 =	seq.s32 s10, $0x1;
	s10 =	sld [smem:$0x3FA9];
	_ =	sdelay $0x3  }
0x34: {  	[smem:$0x3FA9] =	sst s10  }
0x35: {  	s10 =	sld [smem:$0x3FA8];
	_ =	sdelay $0x3  }
0x36: {  	p1 =	seq.s32 s10, $0x1;
	s10 =	sld [smem:$0x3FA9];
	_ =	sdelay $0x3  }
0x37: {  	[smem:$0x3FA9] =	sst s10  }
0x38: {  	s10 =	sld [smem:$0x3FAA]  }
0x39: {  	_ = 	snop;
	(pc) =	sbr.ind lr, $3  }
0x3a: {  	_ = 	snop  }
0x3b: {  	_ = 	snop  }
0x3c: {  	p2 =	seq.s32 s10, $0x1;
	s10 =	sld [smem:$0x3FA9]  }
0x3d: {  	_ =	shalt  }
0x3e: {  	_ =	shalt  }
0x3f: {  	_ =	shalt  }
0x40: {  	_ =	shalt  }
0x41: {  	_ =	shalt  }
0x42: {  	_ =	shalt  }
0x43: {  	_ =	shalt  }
0x44: {  	_ =	shalt  }
0x45: {  	_ =	shalt  }
0x46: {  	_ =	shalt  }
0x47: {  	_ =	shalt  }
0x48: {  	_ =	shalt  }
0x49: {  	_ =	shalt  }
0x4a: {  	_ =	shalt  }
0x4b: {  	_ =	shalt  }
0x4c: {  	_ =	shalt  }
0x4d: {  	_ =	shalt  }
0x4e: {  	_ =	shalt  }
0x4f: {  	_ =	shalt  }
0x50: {  	_ =	shalt  }
0x51: {  	_ =	shalt  }
0x52: {  	_ =	shalt  }
0x53: {  	_ =	shalt  }
0x54: {  	_ =	shalt  }
0x55: {  	_ =	shalt  }
0x56: {  	_ =	shalt  }
0x57: {  	_ =	shalt  }
0x58: {  	_ =	shalt  }
0x59: {  	_ =	shalt  }
0x5a: {  	_ =	shalt  }
0x5b: {  	_ =	shalt  }
0x5c: {  	_ =	shalt  }
0x5d: {  	_ =	shalt  }
0x5e: {  	_ =	shalt  }
0x5f: {  	_ =	shalt  }
0x60: {  	_ =	shalt  }
0x61: {  	_ =	shalt  }
0x62: {  	_ =	shalt  }
0x63: {  	_ =	shalt  }
0x64: {  	_ =	shalt  }
0x65: {  	_ =	shalt  }
0x66: {  	_ =	shalt  }
0x67: {  	_ =	shalt  }
0x68: {  	_ =	shalt  }
0x69: {  	_ =	shalt  }
0x6a: {  	_ =	shalt  }
0x6b: {  	_ =	shalt  }
0x6c: {  	_ =	shalt  }
0x6d: {  	_ =	shalt  }
0x6e: {  	_ =	shalt  }
0x6f: {  	_ =	shalt  }
0x70: {  	_ =	shalt  }
0x71: {  	_ =	shalt  }
0x72: {  	_ =	shalt  }
0x73: {  	_ =	shalt  }
0x74: {  	_ =	shalt  }
0x75: {  	_ =	shalt  }
0x76: {  	_ =	shalt  }
0x77: {  	_ =	shalt  }
0x78: {  	_ =	shalt  }
0x79: {  	_ =	shalt  }
0x7a: {  	_ =	shalt  }
0x7b: {  	_ =	shalt  }
0x7c: {  	_ =	shalt  }
0x7d: {  	_ =	shalt  }
0x7e: {  	_ =	shalt  }
0x7f: {  	_ =	shalt  }
0x80: {  	_ =	shalt  }
0x81: {  	_ =	shalt  }
0x82: {  	_ =	shalt  }
0x83: {  	_ =	shalt  }
0x84: {  	_ =	shalt  }
0x85: {  	_ =	shalt  }
0x86: {  	_ =	shalt  }
0x87: {  	_ =	shalt  }
.Lfunc_end0:
.L_simem_size_0:
called_computation.2_lowered:
.L_overlay_start_0:
0x88: {  	s2 =	sld [smem:$0x3FD9]  }
0x89: {  	s3 =	sld [smem:$0x3FFE];
	_ =	sdelay $0x1  }
0x8a: {  	s1 =	srdreg.scid  }
0x8b: {  	s0 =	sand.u32 $0x1, s1  }
0x8c: {  	s17 =	sshll.u32 s0, $0xA;
	s2 =	sadd.s32 s3, s2  }
0x8d: {  	s2 =	sadd.s32 s2, s17  }
0x8e: {  	[smem:$0x3FB5] =	sst s2  }
0x8f: {  	_ = 	snop  }
0x90: {  	s2 =	sld [smem:$0x3FD0];
	(tm) =	ssettm $0x1  }
0x91: {  	s18 =	sld [smem:$0x3FFB];
	_ =	sdelay $0x3  }
0x92: {  	_ =	strace s18  }
0x93: {  	s3 =	sld [smem:$0x3FFC];
	_ =	sdelay $0x3  }
0x94: {  	_ =	strace s3  }
0x95: {  	s3 =	sld [smem:$0x3FFD];
	_ =	sdelay $0x3  }
0x96: {  	_ =	strace s3  }
0x97: {  	_ =	strace $0x8FFFFFFF  }
0x98: {  	s19 =	sld [smem:$0x3FDB];
	_ =	sdelay $0x1  }
0x99: {  	s4 =	simm.s32 $_scs_section_size  }
0x9a: {  	s5 =	simm.s32 $_size__tile_overlayer_lowered;
	s6 =	simm.s32 $_tile_overlayer_lowered  }
0x9b: {  	s22 =	simm.s32 $0x1BFF;
	s21 =	sshll.u32 s6, $0x1;
	s3 =	sadd.s32 s4, s19  }
0x9c: {  	s7 =	simm.s32 $0x0;
	s20 =	sshll.u32 s5, $0x1;
	s5 =	sadd.s32 s21, s3  }
0x9d: {  	[timem:s7], [sflag:s22] =	dma.local [hbm:s5], s20  }
0x9e: {  	_ =	swait.ge [sflag:s22], s20  }
0x9f: {  	s4 =	ssub.s32 $0x0, s20;
	[sflag:s22] =	ssyncset.done $0x0  }
0xa0: {  	[sflag:s22] =	ssyncadd.s32 s4;
	_ =	sdelay $0x1  }
0xa1: {  	s23 =	simm.s32 $0x1B8B  }
0xa2: {  	_ =	swait.ge [sflag:s23], $0x1  }
0xa3: {  	[sflag:s23] =	ssyncset.done $0x0  }
0xa4: {  	s25 =	simm.s32 $0x1B8E;
	s24 =	sld [smem:$0x3FFE];
	[sflag:s23] =	ssyncadd.s32 $0xFFFFFFFF  }
0xa5: {  	s26 =	simm.s32 $execute0_lowered;
	[smem:$0x3FD2] =	sst s25  }
0xa6: {  	s5 =	sshll.u32 s26, $0x1;
	_ =	strace $0x8000004C;
	[dreg:$0x1] =	wrdreg $0xFFFFFFFF  }
0xa7: {  	s28 =	simm.s32 $_size_execute0_lowered;
	s3 =	sadd.s32 s3, s5;
	[dreg:$0x0] =	wrdreg $0x0  }
0xa8: {  	s5 =	sshll.u32 s28, $0x1;
	[dreg:$0x2] =	wrdreg s3  }
0xa9: {  	[dreg:$0x3] =	wrdreg s5  }
0xaa: {  	[dreg:$0x4] =	wrdreg $0xC0  }
0xab: {  	_ =	task [dreg:s7], $0x5FFFF  }
0xac: {  	[dreg:$0x1] =	wrdreg $0xFFFFFFFF  }
0xad: {  	[dreg:$0x0] =	wrdreg $0x60  }
0xae: {  	[dreg:$0x2] =	wrdreg s24  }
0xaf: {  	[dreg:$0x3] =	wrdreg s2  }
0xb0: {  	[dreg:$0x4] =	wrdreg $0x90000  }
0xb1: {  	[dreg:$0x5] =	wrdreg $0x9  }
0xb2: {  	_ =	task.clear_ibuf [dreg:s7], $0x6FFFF;
	_ =	strace $0x9000004C  }
0xb3: {  	s29 =	simm.s32 $0x9;
	_ =	strace $0x8000004E  }
0xb4: {  	_ =	swait.ge [sflag:s29], $0x1  }
0xb5: {  	[sflag:s29] =	ssyncadd.s32 $0xFFFFFFFF  }
0xb6: {  	_ =	strace $0x9000004E  }
0xb7: {  	_ =	sfence  }
0xb8: {  	s30 =	sld [smem:$0x0];
	_ =	sdelay $0x2  }
0xb9: {  	s31 =	sshll.u32 s1, $0xD;
	s1 =	sshrl.u32 s1, $0x2  }
0xba: {  	s3 =	sand.u32 $0x4000, s31;
	s1 =	sadd.s32 s1, s30  }
0xbb: {  	s0 =	sor.u32 s3, s0;
	s1 =	sshll.u32 s1, $0x11  }
0xbc: {  	s0 =	sor.u32 s1, s0  }
0xbd: {  	s0 =	sadd.s32 $0x8F2B, s0  }
0xbe: {  	[sflag:s0] =	ssyncadd.remote.s32 $0x1  }
0xbf: {  	_ =	sfence.sel $0xFFFF  }
0xc0: {  	[dreg:$0x0] =	wrdreg $0xFFFFFFFF;
	(pc) =	sbr.abs _section_cstart, $3  }
0xc1: {  	[dreg:$0x1] =	wrdreg $0xFFFFFFFF  }
0xc2: {  	_ =	task.clear_ibuf [dreg:s7], $0x2FFFF;
	_ =	strace $0x9FFFFFFF  }
0xc3: {  	(tm) =	ssettm $0x7FFFFFFF  }
tec
execute0_lowered:
.L_overlay_start_1:
0x0: {  	(tag) =	ssettag $0x1  }
0x1: {  	s1 =	srdreg.scid;
	s6 =	rddreg [dreg:$0x0]  }
0x2: {  	s0 =	stileid.u32;
	s8 =	rddreg [dreg:$0x1]  }
0x3: {  	s2 =	rddreg [dreg:$0x2];
	s3 =	simm.s32 $0x0;
	s14 =	simm.s32 $0x80  }
0x4: {  	s15 =	simm.s32 $0x5000;
	s16 =	simm.s32 $0x1;
	s17 =	simm.s32 $0x0  }
0x5: {  	s7 =	sand.u32 $0x1, s1;
	s29 =	sshll.u32 s0, $0x1;
	s10 =	smul.u32 $0x13C00, s0  }
0x6: {  	[smem:$0x7FF] =	sst s3;
	s4 =	sadd.s32 $0x10A00, s6;
	s12 =	smul.u32 $0x4F000, s0  }
0x7: {  	s31 =	sshll.u32 s0, $0x6;
	s1 =	sor.u32 s7, s29;
	s5 =	smul.u32 $0x13C000, s7  }
0x8: {  	s7 =	ssub.s32 $0x2, s7;
	s9 =	smul.u32 $0x500, s1;
	s1 =	rddreg [dreg:$0x3]  }
0x9: {  	_ =	strace $0x8000004D;
	s30 =	sshrl.u32 s7, $0x1;
	s12 =	sshrl.u32 s12, $0x2  }
0xa: {  	s10 =	sadd.s32 s10, s5;
	s5 =	sadd.s32 $0xE200, s6;
	s13 =	ssub.s32 s7, s30  }
0xb: {  	s12 =	sadd.s32 s12, s2;
	s11 =	sadd.s32 s9, s6;
	s10 =	sshrl.u32 s10, $0x3  }
0xc: {  	s7 =	sadd.s32 s8, s9;
	s10 =	sadd.s32 s10, s6;
	s6 =	sor.u32 $0x1C02, s31  }
0xd: {  	s8 =	sadd.s32 $0x4200, s11;
	s11 =	sshrl.u32 s12, $0x3;
	s12 =	simm.s32 $0x2  }
0xe: {  	s9 =	sadd.s32 $0xAF200, s10;
	s10 =	smax.u32 s13, $0x1;
	s13 =	simm.s32 $0x2800  }
.LBB2_1:
0xf: {  	[spmem:s11], [sflag:s6] =	dma.local [hbm:s5], $0x2780  }
0x10: {  	_ =	swait.ge [sflag:s12], $0x2780  }
0x11: {  	[sflag:s12] =	ssyncset.done $0x0  }
0x12: {  	[sflag:s12] =	ssyncadd.s32 $0xFFFFD880  }
0x13: {  	[tilespmem:s3], [sflag:$0x2] =	stream.linear.gather [hbm4b:s7+s3], $0x2800, $0x38;
	[tilespmem:$0x1CC00] =	vst v63  }
0x14: {  	_ =	swait.ge [sflag:s12], $0x2800  }
0x15: {  	[sflag:s12] =	ssyncset.done $0x0  }
0x16: {  	[sflag:s12] =	ssyncadd.s32 $0xFFFFD800  }
0x17: {  	[tilespmem:s13], [sflag:$0x2] =	stream.linear.gather [hbm4b:s8+s3], $0x2800, $0x38;
	[tilespmem:$0x1CC00] =	vst v63  }
0x18: {  	_ =	swait.ge [sflag:s12], $0x2800  }
0x19: {  	[sflag:s12] =	ssyncset.done $0x0  }
0x1a: {  	[sflag:s12] =	ssyncadd.s32 $0xFFFFD800  }
0x1b: {  	s18 =	simm.s32 $0x0;
	[bflag:$0x0] =	sbarrier.arrive $0xFFFF  }
0x1c: {  	[tilespmem:s15], [sflag:$0x1] =	stream.indirect.gather [hbm4b:s4+s14], $0x80, s18, s14, $0xb8;
	[tilespmem:$0x1CC00] =	vst v63  }
0x1d: {  	_ =	swait.ge [sflag:s16], $0x4000  }
0x1e: {  	[sflag:s16] =	ssyncset.done $0x0  }
0x1f: {  	s31 =	simm.s32 $0x2800;
	[sflag:s16] =	ssyncadd.s32 $0xFFFFC000  }
0x20: {  	[spmem:s2] =	stream.indirect.scatter.add.f32 [tilespmem:s15], [sflag:$0x2], $0x80, s31, s14, $0xb8;
	[tilespmem:$0x1CC00] =	vst v63  }
0x21: {  	_ =	swait.ge [sflag:s12], $0x4000  }
0x22: {  	s19 =	simm.s32 $0x400;
	s18 =	simm.s32 $0x200;
	[sflag:s12] =	ssyncset.done $0x0  }
.LBB2_2:
0x23: {  	s20 =	sshra.s32 s18, $0x2  }
0x24: {  	[sflag:s12] =	ssyncadd.s32 $0xFFFFC000;
	s18 =	smov.u32 s19;
	s21 =	sadd.s32 $0x200, s19  }
0x25: {  	[tilespmem:s15], [sflag:$0x1] =	stream.indirect.gather [hbm4b:s4+s14], $0x80, s20, s14, $0xb8;
	[tilespmem:$0x1CC00] =	vst v63  }
0x26: {  	p0 =	sne.s32 s19, $0x9E00;
	_ =	swait.ge [sflag:s16], $0x4000  }
.Ltmp0:
0x27: {  	[sflag:s16] =	ssyncset.done $0x0;
	(pc) =	sbr.rel @p0 .LBB2_2-.Ltmp0, $4  }
0x28: {  	s19 =	sadd.s32 $0x2800, s20;
	[sflag:s16] =	ssyncadd.s32 $0xFFFFC000  }
0x29: {  	[spmem:s2] =	stream.indirect.scatter.add.f32 [tilespmem:s15], [sflag:$0x2], $0x80, s19, s14, $0xb8;
	[tilespmem:$0x1CC00] =	vst v63  }
0x2a: {  	_ =	swait.ge [sflag:s12], $0x4000  }
0x2b: {  	s19 =	smov.u32 s21;
	[sflag:s12] =	ssyncset.done $0x0  }
0x2c: {  	s18 =	sshra.s32 s18, $0x2;
	[sflag:s12] =	ssyncadd.s32 $0xFFFFC000  }
0x2d: {  	[tilespmem:s15], [sflag:$0x1] =	stream.indirect.gather [hbm4b:s4+s14], $0x80, s18, s14, $0xb8;
	[tilespmem:$0x1CC00] =	vst v63  }
0x2e: {  	_ =	swait.ge [sflag:s16], $0x4000  }
0x2f: {  	[sflag:s16] =	ssyncset.done $0x0  }
0x30: {  	s18 =	sadd.s32 $0x2800, s18;
	[sflag:s16] =	ssyncadd.s32 $0xFFFFC000  }
0x31: {  	[spmem:s2] =	stream.indirect.scatter.add.f32 [tilespmem:s15], [sflag:$0x2], $0x80, s18, s14, $0xb8;
	[tilespmem:$0x1CC00] =	vst v63  }
0x32: {  	_ =	swait.ge [sflag:s12], $0x4000  }
0x33: {  	s17 =	sadd.s32 $0x1, s17;
	[sflag:s12] =	ssyncset.done $0x0  }
0x34: {  	p0 =	sne.s32 s17, s10;
	[sflag:s12] =	ssyncadd.s32 $0xFFFFC000  }
.Ltmp1:
0x35: {  	[bflag:$0x0] =	sbarrier.arrive $0xFFFF;
	(pc) =	sbr.rel @p0 .LBB2_1-.Ltmp1, $4  }
0x36: {  	[hbm:s9], [sflag:s6] =	dma.local [spmem:s11], $0x2780  }
0x37: {  	_ =	swait.ge [sflag:s12], $0x2780  }
0x38: {  	[sflag:s12] =	ssyncset.done $0x0  }
0x39: {  	[sflag:s12] =	ssyncadd.s32 $0xFFFFD880  }
0x3a: {  	_ =	sfence.sel $0x180000  }
0x3b: {  	[bflag:$0x0] =	sbarrier.arrive $0xFFFF  }
0x3c: {  	p0 =	sne.s32 s0, $0x0;
	_ =	strace $0x9000004D  }
0x3d: {  	s0 =	sadd.s32 @!p0 $0x100000, s1;
	[bflag:$0x2] =	sbarrier.arrive $0xFFFF  }
0x3e: {  	[sflag:s0] =	ssyncadd.tile.s32 @!p0 $0x1;
	_ =	shalt  }
.Lfunc_end2:
_tile_overlayer_lowered:
.L_overlay_start_2:
0x3f: {  	(tag) =	ssettag $0x2  }
0x40: {  	s0 =	rddreg [dreg:$0x0];
	s2 =	stileid.u32  }
0x41: {  	s1 =	rddreg [dreg:$0x1];
	p0 =	sne.s32 s2, $0x0  }
0x42: {  	s3 =	rddreg [dreg:$0x2];
	[bflag:$0x3] =	sbarrier.arrive $0xFFFF;
	s2 =	simm.s32 @!p0 $0x1C02  }
0x43: {  	[timem:s3], [sflag:s2] =	dma.local @!p0 [hbm:s0], s1  }
0x44: {  	s0 =	simm.s32 @!p0 $0x2  }
0x45: {  	_ =	swait.ge @!p0 [sflag:s0], s1  }
0x46: {  	s1 =	ssub.s32 @!p0 $0x0, s1;
	[sflag:s0] =	ssyncset.done @!p0 $0x0  }
0x47: {  	[sflag:s0] =	ssyncadd.s32 @!p0 s1  }
0x48: {  	[bflag:$0x3] =	sbarrier.arrive $0xFFFF  }
0x49: {  	_ =	shalt  }

// kernel: kernel.18.cloned.1.call-start
scs
__scs_entry_jumppad:
0x0: {  	(pc) =	sbr.rel $0x88, $3  }
0x1: {  	(tag) =	ssettag $0x0;
	lr =	simm.s32 $0x1  }
0x2: {  	[smem:$0x3F8E] =	sst lr;
	_ =	strace $0xD0000000  }
0x3: {  	_ = 	snop  }
0x4: {  	_ = 	snop  }
0x5: {  	_ = 	snop  }
0x6: {  	_ = 	snop  }
0x7: {  	_ = 	snop  }
__scs_overlays_trampoline_lowered:
0x8: {  	[smem:$0x3F9D] =	sst s0  }
0x9: {  	[smem:$0x3F9E] =	sst s1  }
0xa: {  	[smem:$0x3F9F] =	sst s2  }
0xb: {  	[smem:$0x3FA0] =	sst s3  }
0xc: {  	[smem:$0x3FA1] =	sst s4  }
0xd: {  	[smem:$0x3FA2] =	sst s5  }
0xe: {  	[smem:$0x3FA3] =	sst s6  }
0xf: {  	[smem:$0x3FA4] =	sst s7  }
0x10: {  	[smem:$0x3FA5] =	sst s8  }
0x11: {  	[smem:$0x3FA6] =	sst s9;
	s0 =	simm.s32 @!p0 $0x0  }
0x12: {  	s1 =	sld [smem:$0x3F8C];
	s0 =	simm.s32 @p0 $0x1  }
0x13: {  	[smem:$0x3FA7] =	sst s0;
	s0 =	simm.s32 @!p1 $0x0  }
0x14: {  	s2 =	sld [smem:$0x3F8B];
	s0 =	simm.s32 @p1 $0x1  }
0x15: {  	[smem:$0x3FA8] =	sst s0;
	s0 =	simm.s32 @!p2 $0x0  }
0x16: {  	s3 =	sld [smem:$0x3FDB];
	s0 =	simm.s32 @p2 $0x1  }
0x17: {  	s4 =	simm.s32 $0x1BF5;
	[smem:$0x3FAA] =	sst s0  }
0x18: {  	s0 =	sld [smem:$0x3F8D];
	_ =	swait.ge [sflag:s4], $0x0  }
0x19: {  	s7 =	sld [smem:$0x3F8E]  }
0x1a: {  	s8 =	sadd.s32 $0xFFFFE003, lr  }
0x1b: {  	s9 =	sadd.s32 $0xFFFFFEF7, lr;
	s5 =	simm.s32 $0xFFFFFFFF;
	p2 =	slt.u32 s8, $0xFFFFF086  }
0x1c: {  	p1 =	slt.u32 s9, $0xF7A;
	s5 =	simm.s32 @!p2 $0x0  }
0x1d: {  	s5 =	simm.s32 @p1 $0x1;
	p0 =	seq.s32 s7, s2  }
0x1e: {  	s7 =	smul.u32 @!p0 $0xF7A, s2;
	p2 =	seq.s32 @!p0 s5, $0x0  }
0x1f: {  	s9 =	smul.u32 $0xF7A, s1;
	s8 =	simm.s32 @!p0 $0x1BF5;
	p2 =	por !p2, p0  }
0x20: {  	[sflag:s8] =	ssyncset.s32 @!p0 $0xFFFFF086;
	s6 =	sadd.s32 @!p0 s3, s7;
	s7 =	simm.s32 @!p0 $0x108  }
0x21: {  	s3 =	sadd.s32 s3, s9;
	s6 =	sadd.s32 @!p0 $0x88, s6;
	s7 =	simm.s32 @p2 $0x1082  }
0x22: {  	[simem:s7], [sflag:s8] =	dma.local @!p0 [hbm:s6], $0xF7A  }
0x23: {  	s9 =	sor.u32 $0xD0000000, s2;
	s6 =	simm.s32 $0x108;
	_ =	swait.ge @!p0 [sflag:s8], $0x0  }
0x24: {  	s3 =	sadd.s32 $0x88, s3;
	s6 =	simm.s32 @!p1 $0x1082;
	[sflag:s4] =	ssyncset.s32 $0xFFFFF086  }
0x25: {  	[simem:s6], [sflag:s4] =	dma.local [hbm:s3], $0xF7A  }
0x26: {  	[smem:$0x3F8E] =	sst s1;
	(tag) =	ssettag s2;
	_ =	strace s9  }
0x27: {  	s1 =	sld [smem:$0x3F9E]  }
0x28: {  	s2 =	sld [smem:$0x3F9F]  }
0x29: {  	s4 =	sld [smem:$0x3FA1]  }
0x2a: {  	p0 =	seq.s32 s5, $0x0;
	s5 =	sld [smem:$0x3FA2]  }
0x2b: {  	s6 =	sld [smem:$0x3FA3]  }
0x2c: {  	s7 =	sld [smem:$0x3FA4]  }
0x2d: {  	s3 =	simm.s32 $0x108;
	s8 =	sld [smem:$0x3FA5]  }
0x2e: {  	s3 =	simm.s32 @!p0 $0x1082;
	s9 =	sld [smem:$0x3FA6]  }
0x2f: {  	lr =	sadd.s32 s0, s3;
	s0 =	sld [smem:$0x3F9D]  }
0x30: {  	s3 =	sld [smem:$0x3FA0]  }
0x31: {  	[smem:$0x3FA9] =	sst s10  }
0x32: {  	s10 =	sld [smem:$0x3FA7];
	_ =	sdelay $0x3  }
0x33: {  	p0 =	seq.s32 s10, $0x1;
	s10 =	sld [smem:$0x3FA9];
	_ =	sdelay $0x3  }
0x34: {  	[smem:$0x3FA9] =	sst s10  }
0x35: {  	s10 =	sld [smem:$0x3FA8];
	_ =	sdelay $0x3  }
0x36: {  	p1 =	seq.s32 s10, $0x1;
	s10 =	sld [smem:$0x3FA9];
	_ =	sdelay $0x3  }
0x37: {  	[smem:$0x3FA9] =	sst s10  }
0x38: {  	s10 =	sld [smem:$0x3FAA]  }
0x39: {  	_ = 	snop;
	(pc) =	sbr.ind lr, $3  }
0x3a: {  	_ = 	snop  }
0x3b: {  	_ = 	snop  }
0x3c: {  	p2 =	seq.s32 s10, $0x1;
	s10 =	sld [smem:$0x3FA9]  }
0x3d: {  	_ =	shalt  }
0x3e: {  	_ =	shalt  }
0x3f: {  	_ =	shalt  }
0x40: {  	_ =	shalt  }
0x41: {  	_ =	shalt  }
0x42: {  	_ =	shalt  }
0x43: {  	_ =	shalt  }
0x44: {  	_ =	shalt  }
0x45: {  	_ =	shalt  }
0x46: {  	_ =	shalt  }
0x47: {  	_ =	shalt  }
0x48: {  	_ =	shalt  }
0x49: {  	_ =	shalt  }
0x4a: {  	_ =	shalt  }
0x4b: {  	_ =	shalt  }
0x4c: {  	_ =	shalt  }
0x4d: {  	_ =	shalt  }
0x4e: {  	_ =	shalt  }
0x4f: {  	_ =	shalt  }
0x50: {  	_ =	shalt  }
0x51: {  	_ =	shalt  }
0x52: {  	_ =	shalt  }
0x53: {  	_ =	shalt  }
0x54: {  	_ =	shalt  }
0x55: {  	_ =	shalt  }
0x56: {  	_ =	shalt  }
0x57: {  	_ =	shalt  }
0x58: {  	_ =	shalt  }
0x59: {  	_ =	shalt  }
0x5a: {  	_ =	shalt  }
0x5b: {  	_ =	shalt  }
0x5c: {  	_ =	shalt  }
0x5d: {  	_ =	shalt  }
0x5e: {  	_ =	shalt  }
0x5f: {  	_ =	shalt  }
0x60: {  	_ =	shalt  }
0x61: {  	_ =	shalt  }
0x62: {  	_ =	shalt  }
0x63: {  	_ =	shalt  }
0x64: {  	_ =	shalt  }
0x65: {  	_ =	shalt  }
0x66: {  	_ =	shalt  }
0x67: {  	_ =	shalt  }
0x68: {  	_ =	shalt  }
0x69: {  	_ =	shalt  }
0x6a: {  	_ =	shalt  }
0x6b: {  	_ =	shalt  }
0x6c: {  	_ =	shalt  }
0x6d: {  	_ =	shalt  }
0x6e: {  	_ =	shalt  }
0x6f: {  	_ =	shalt  }
0x70: {  	_ =	shalt  }
0x71: {  	_ =	shalt  }
0x72: {  	_ =	shalt  }
0x73: {  	_ =	shalt  }
0x74: {  	_ =	shalt  }
0x75: {  	_ =	shalt  }
0x76: {  	_ =	shalt  }
0x77: {  	_ =	shalt  }
0x78: {  	_ =	shalt  }
0x79: {  	_ =	shalt  }
0x7a: {  	_ =	shalt  }
0x7b: {  	_ =	shalt  }
0x7c: {  	_ =	shalt  }
0x7d: {  	_ =	shalt  }
0x7e: {  	_ =	shalt  }
0x7f: {  	_ =	shalt  }
0x80: {  	_ =	shalt  }
0x81: {  	_ =	shalt  }
0x82: {  	_ =	shalt  }
0x83: {  	_ =	shalt  }
0x84: {  	_ =	shalt  }
0x85: {  	_ =	shalt  }
0x86: {  	_ =	shalt  }
0x87: {  	_ =	shalt  }
.Lfunc_end0:
.L_simem_size_0:
called_computation.3_lowered:
.L_overlay_start_0:
0x88: {  	s2 =	sld [smem:$0x3FD9]  }
0x89: {  	s3 =	sld [smem:$0x3FFE];
	_ =	sdelay $0x1  }
0x8a: {  	s1 =	srdreg.scid  }
0x8b: {  	s0 =	sand.u32 $0x1, s1  }
0x8c: {  	s17 =	sshll.u32 s0, $0xA;
	s2 =	sadd.s32 s3, s2  }
0x8d: {  	s2 =	sadd.s32 s2, s17  }
0x8e: {  	[smem:$0x3FB5] =	sst s2  }
0x8f: {  	_ = 	snop  }
0x90: {  	s2 =	sld [smem:$0x3FD0];
	(tm) =	ssettm $0x1  }
0x91: {  	s18 =	sld [smem:$0x3FFB];
	_ =	sdelay $0x3  }
0x92: {  	_ =	strace s18  }
0x93: {  	s3 =	sld [smem:$0x3FFC];
	_ =	sdelay $0x3  }
0x94: {  	_ =	strace s3  }
0x95: {  	s3 =	sld [smem:$0x3FFD];
	_ =	sdelay $0x3  }
0x96: {  	_ =	strace s3  }
0x97: {  	_ =	strace $0x8FFFFFFF  }
0x98: {  	s19 =	sld [smem:$0x3FDB];
	_ =	sdelay $0x1  }
0x99: {  	s4 =	simm.s32 $_scs_section_size  }
0x9a: {  	s5 =	simm.s32 $_size__tile_overlayer_lowered;
	s6 =	simm.s32 $_tile_overlayer_lowered  }
0x9b: {  	s22 =	simm.s32 $0x1BFF;
	s21 =	sshll.u32 s6, $0x1;
	s3 =	sadd.s32 s4, s19  }
0x9c: {  	s7 =	simm.s32 $0x0;
	s20 =	sshll.u32 s5, $0x1;
	s5 =	sadd.s32 s21, s3  }
0x9d: {  	[timem:s7], [sflag:s22] =	dma.local [hbm:s5], s20  }
0x9e: {  	_ =	swait.ge [sflag:s22], s20  }
0x9f: {  	s4 =	ssub.s32 $0x0, s20;
	[sflag:s22] =	ssyncset.done $0x0  }
0xa0: {  	[sflag:s22] =	ssyncadd.s32 s4;
	_ =	sdelay $0x1  }
0xa1: {  	s23 =	simm.s32 $0x1B8B  }
0xa2: {  	_ =	swait.ge [sflag:s23], $0x1  }
0xa3: {  	[sflag:s23] =	ssyncset.done $0x0  }
0xa4: {  	s25 =	simm.s32 $0x1B8E;
	s24 =	sld [smem:$0x3FFE];
	[sflag:s23] =	ssyncadd.s32 $0xFFFFFFFF  }
0xa5: {  	s26 =	simm.s32 $execute0_lowered;
	[smem:$0x3FD2] =	sst s25  }
0xa6: {  	s5 =	sshll.u32 s26, $0x1;
	_ =	strace $0x8000004F;
	[dreg:$0x1] =	wrdreg $0xFFFFFFFF  }
0xa7: {  	s28 =	simm.s32 $_size_execute0_lowered;
	s3 =	sadd.s32 s3, s5;
	[dreg:$0x0] =	wrdreg $0x0  }
0xa8: {  	s5 =	sshll.u32 s28, $0x1;
	[dreg:$0x2] =	wrdreg s3  }
0xa9: {  	[dreg:$0x3] =	wrdreg s5  }
0xaa: {  	[dreg:$0x4] =	wrdreg $0xC0  }
0xab: {  	_ =	task [dreg:s7], $0x5FFFF  }
0xac: {  	[dreg:$0x1] =	wrdreg $0xFFFFFFFF  }
0xad: {  	[dreg:$0x0] =	wrdreg $0x60  }
0xae: {  	[dreg:$0x2] =	wrdreg s24  }
0xaf: {  	[dreg:$0x3] =	wrdreg s2  }
0xb0: {  	[dreg:$0x4] =	wrdreg $0x90000  }
0xb1: {  	[dreg:$0x5] =	wrdreg $0x9  }
0xb2: {  	_ =	task.clear_ibuf [dreg:s7], $0x6FFFF;
	_ =	strace $0x9000004F  }
0xb3: {  	s29 =	simm.s32 $0x9;
	_ =	strace $0x80000051  }
0xb4: {  	_ =	swait.ge [sflag:s29], $0x1  }
0xb5: {  	[sflag:s29] =	ssyncadd.s32 $0xFFFFFFFF  }
0xb6: {  	_ =	strace $0x90000051  }
0xb7: {  	_ =	sfence  }
0xb8: {  	s30 =	sld [smem:$0x0];
	_ =	sdelay $0x2  }
0xb9: {  	s31 =	sshll.u32 s1, $0xD;
	s1 =	sshrl.u32 s1, $0x2  }
0xba: {  	s3 =	sand.u32 $0x4000, s31;
	s1 =	sadd.s32 s1, s30  }
0xbb: {  	s0 =	sor.u32 s3, s0;
	s1 =	sshll.u32 s1, $0x11  }
0xbc: {  	s0 =	sor.u32 s1, s0  }
0xbd: {  	s0 =	sadd.s32 $0x8F2B, s0  }
0xbe: {  	[sflag:s0] =	ssyncadd.remote.s32 $0x1  }
0xbf: {  	_ =	sfence.sel $0xFFFF  }
0xc0: {  	[dreg:$0x0] =	wrdreg $0xFFFFFFFF;
	(pc) =	sbr.abs _section_cstart, $3  }
0xc1: {  	[dreg:$0x1] =	wrdreg $0xFFFFFFFF  }
0xc2: {  	_ =	task.clear_ibuf [dreg:s7], $0x2FFFF;
	_ =	strace $0x9FFFFFFF  }
0xc3: {  	(tm) =	ssettm $0x7FFFFFFF  }
tec
execute0_lowered:
.L_overlay_start_1:
0x0: {  	(tag) =	ssettag $0x1  }
0x1: {  	s1 =	srdreg.scid;
	s6 =	rddreg [dreg:$0x0]  }
0x2: {  	s0 =	stileid.u32;
	s8 =	rddreg [dreg:$0x1]  }
0x3: {  	s2 =	rddreg [dreg:$0x2];
	s3 =	simm.s32 $0x0;
	s14 =	simm.s32 $0x80  }
0x4: {  	s15 =	simm.s32 $0x5000;
	s16 =	simm.s32 $0x1;
	s17 =	simm.s32 $0x0  }
0x5: {  	s7 =	sand.u32 $0x1, s1;
	s29 =	sshll.u32 s0, $0x1;
	s10 =	smul.u32 $0x13C00, s0  }
0x6: {  	[smem:$0x7FF] =	sst s3;
	s4 =	sadd.s32 $0x10A00, s6;
	s12 =	smul.u32 $0x4F000, s0  }
0x7: {  	s31 =	sshll.u32 s0, $0x6;
	s1 =	sor.u32 s7, s29;
	s5 =	smul.u32 $0x13C000, s7  }
0x8: {  	s7 =	ssub.s32 $0x2, s7;
	s9 =	smul.u32 $0x500, s1;
	s1 =	rddreg [dreg:$0x3]  }
0x9: {  	_ =	strace $0x80000050;
	s30 =	sshrl.u32 s7, $0x1;
	s12 =	sshrl.u32 s12, $0x2  }
0xa: {  	s10 =	sadd.s32 s10, s5;
	s5 =	sadd.s32 $0xE200, s6;
	s13 =	ssub.s32 s7, s30  }
0xb: {  	s12 =	sadd.s32 s12, s2;
	s11 =	sadd.s32 s9, s6;
	s10 =	sshrl.u32 s10, $0x3  }
0xc: {  	s7 =	sadd.s32 s8, s9;
	s10 =	sadd.s32 s10, s6;
	s6 =	sor.u32 $0x1C02, s31  }
0xd: {  	s8 =	sadd.s32 $0x4200, s11;
	s11 =	sshrl.u32 s12, $0x3;
	s12 =	simm.s32 $0x2  }
0xe: {  	s9 =	sadd.s32 $0xAF200, s10;
	s10 =	smax.u32 s13, $0x1;
	s13 =	simm.s32 $0x2800  }
.LBB2_1:
0xf: {  	[spmem:s11], [sflag:s6] =	dma.local [hbm:s5], $0x2780  }
0x10: {  	_ =	swait.ge [sflag:s12], $0x2780  }
0x11: {  	[sflag:s12] =	ssyncset.done $0x0  }
0x12: {  	[sflag:s12] =	ssyncadd.s32 $0xFFFFD880  }
0x13: {  	[tilespmem:s3], [sflag:$0x2] =	stream.linear.gather [hbm4b:s7+s3], $0x2800, $0x38;
	[tilespmem:$0x1CC00] =	vst v63  }
0x14: {  	_ =	swait.ge [sflag:s12], $0x2800  }
0x15: {  	[sflag:s12] =	ssyncset.done $0x0  }
0x16: {  	[sflag:s12] =	ssyncadd.s32 $0xFFFFD800  }
0x17: {  	[tilespmem:s13], [sflag:$0x2] =	stream.linear.gather [hbm4b:s8+s3], $0x2800, $0x38;
	[tilespmem:$0x1CC00] =	vst v63  }
0x18: {  	_ =	swait.ge [sflag:s12], $0x2800  }
0x19: {  	[sflag:s12] =	ssyncset.done $0x0  }
0x1a: {  	[sflag:s12] =	ssyncadd.s32 $0xFFFFD800  }
0x1b: {  	s18 =	simm.s32 $0x0;
	[bflag:$0x0] =	sbarrier.arrive $0xFFFF  }
0x1c: {  	[tilespmem:s15], [sflag:$0x1] =	stream.indirect.gather [hbm4b:s4+s14], $0x80, s18, s14, $0xb8;
	[tilespmem:$0x1CC00] =	vst v63  }
0x1d: {  	_ =	swait.ge [sflag:s16], $0x4000  }
0x1e: {  	[sflag:s16] =	ssyncset.done $0x0  }
0x1f: {  	s31 =	simm.s32 $0x2800;
	[sflag:s16] =	ssyncadd.s32 $0xFFFFC000  }
0x20: {  	[spmem:s2] =	stream.indirect.scatter.add.f32 [tilespmem:s15], [sflag:$0x2], $0x80, s31, s14, $0xb8;
	[tilespmem:$0x1CC00] =	vst v63  }
0x21: {  	_ =	swait.ge [sflag:s12], $0x4000  }
0x22: {  	s19 =	simm.s32 $0x400;
	s18 =	simm.s32 $0x200;
	[sflag:s12] =	ssyncset.done $0x0  }
.LBB2_2:
0x23: {  	s20 =	sshra.s32 s18, $0x2  }
0x24: {  	[sflag:s12] =	ssyncadd.s32 $0xFFFFC000;
	s18 =	smov.u32 s19;
	s21 =	sadd.s32 $0x200, s19  }
0x25: {  	[tilespmem:s15], [sflag:$0x1] =	stream.indirect.gather [hbm4b:s4+s14], $0x80, s20, s14, $0xb8;
	[tilespmem:$0x1CC00] =	vst v63  }
0x26: {  	p0 =	sne.s32 s19, $0x9E00;
	_ =	swait.ge [sflag:s16], $0x4000  }
.Ltmp0:
0x27: {  	[sflag:s16] =	ssyncset.done $0x0;
	(pc) =	sbr.rel @p0 .LBB2_2-.Ltmp0, $4  }
0x28: {  	s19 =	sadd.s32 $0x2800, s20;
	[sflag:s16] =	ssyncadd.s32 $0xFFFFC000  }
0x29: {  	[spmem:s2] =	stream.indirect.scatter.add.f32 [tilespmem:s15], [sflag:$0x2], $0x80, s19, s14, $0xb8;
	[tilespmem:$0x1CC00] =	vst v63  }
0x2a: {  	_ =	swait.ge [sflag:s12], $0x4000  }
0x2b: {  	s19 =	smov.u32 s21;
	[sflag:s12] =	ssyncset.done $0x0  }
0x2c: {  	s18 =	sshra.s32 s18, $0x2;
	[sflag:s12] =	ssyncadd.s32 $0xFFFFC000  }
0x2d: {  	[tilespmem:s15], [sflag:$0x1] =	stream.indirect.gather [hbm4b:s4+s14], $0x80, s18, s14, $0xb8;
	[tilespmem:$0x1CC00] =	vst v63  }
0x2e: {  	_ =	swait.ge [sflag:s16], $0x4000  }
0x2f: {  	[sflag:s16] =	ssyncset.done $0x0  }
0x30: {  	s18 =	sadd.s32 $0x2800, s18;
	[sflag:s16] =	ssyncadd.s32 $0xFFFFC000  }
0x31: {  	[spmem:s2] =	stream.indirect.scatter.add.f32 [tilespmem:s15], [sflag:$0x2], $0x80, s18, s14, $0xb8;
	[tilespmem:$0x1CC00] =	vst v63  }
0x32: {  	_ =	swait.ge [sflag:s12], $0x4000  }
0x33: {  	s17 =	sadd.s32 $0x1, s17;
	[sflag:s12] =	ssyncset.done $0x0  }
0x34: {  	p0 =	sne.s32 s17, s10;
	[sflag:s12] =	ssyncadd.s32 $0xFFFFC000  }
.Ltmp1:
0x35: {  	[bflag:$0x0] =	sbarrier.arrive $0xFFFF;
	(pc) =	sbr.rel @p0 .LBB2_1-.Ltmp1, $4  }
0x36: {  	[hbm:s9], [sflag:s6] =	dma.local [spmem:s11], $0x2780  }
0x37: {  	_ =	swait.ge [sflag:s12], $0x2780  }
0x38: {  	[sflag:s12] =	ssyncset.done $0x0  }
0x39: {  	[sflag:s12] =	ssyncadd.s32 $0xFFFFD880  }
0x3a: {  	_ =	sfence.sel $0x180000  }
0x3b: {  	[bflag:$0x0] =	sbarrier.arrive $0xFFFF  }
0x3c: {  	p0 =	sne.s32 s0, $0x0;
	_ =	strace $0x90000050  }
0x3d: {  	s0 =	sadd.s32 @!p0 $0x100000, s1;
	[bflag:$0x2] =	sbarrier.arrive $0xFFFF  }
0x3e: {  	[sflag:s0] =	ssyncadd.tile.s32 @!p0 $0x1;
	_ =	shalt  }
.Lfunc_end2:
_tile_overlayer_lowered:
.L_overlay_start_2:
0x3f: {  	(tag) =	ssettag $0x2  }
0x40: {  	s0 =	rddreg [dreg:$0x0];
	s2 =	stileid.u32  }
0x41: {  	s1 =	rddreg [dreg:$0x1];
	p0 =	sne.s32 s2, $0x0  }
0x42: {  	s3 =	rddreg [dreg:$0x2];
	[bflag:$0x3] =	sbarrier.arrive $0xFFFF;
	s2 =	simm.s32 @!p0 $0x1C02  }
0x43: {  	[timem:s3], [sflag:s2] =	dma.local @!p0 [hbm:s0], s1  }
0x44: {  	s0 =	simm.s32 @!p0 $0x2  }
0x45: {  	_ =	swait.ge @!p0 [sflag:s0], s1  }
0x46: {  	s1 =	ssub.s32 @!p0 $0x0, s1;
	[sflag:s0] =	ssyncset.done @!p0 $0x0  }
0x47: {  	[sflag:s0] =	ssyncadd.s32 @!p0 s1  }
0x48: {  	[bflag:$0x3] =	sbarrier.arrive $0xFFFF  }
0x49: {  	_ =	shalt  }

// kernel: kernel.9.cloned.1.call-start
scs
__scs_entry_jumppad:
0x0: {  	(pc) =	sbr.rel $0x88, $3  }
0x1: {  	(tag) =	ssettag $0x0;
	lr =	simm.s32 $0x1  }
0x2: {  	[smem:$0x3F8E] =	sst lr;
	_ =	strace $0xD0000000  }
0x3: {  	_ = 	snop  }
0x4: {  	_ = 	snop  }
0x5: {  	_ = 	snop  }
0x6: {  	_ = 	snop  }
0x7: {  	_ = 	snop  }
__scs_overlays_trampoline_lowered:
0x8: {  	[smem:$0x3F9D] =	sst s0  }
0x9: {  	[smem:$0x3F9E] =	sst s1  }
0xa: {  	[smem:$0x3F9F] =	sst s2  }
0xb: {  	[smem:$0x3FA0] =	sst s3  }
0xc: {  	[smem:$0x3FA1] =	sst s4  }
0xd: {  	[smem:$0x3FA2] =	sst s5  }
0xe: {  	[smem:$0x3FA3] =	sst s6  }
0xf: {  	[smem:$0x3FA4] =	sst s7  }
0x10: {  	[smem:$0x3FA5] =	sst s8  }
0x11: {  	[smem:$0x3FA6] =	sst s9;
	s0 =	simm.s32 @!p0 $0x0  }
0x12: {  	s1 =	sld [smem:$0x3F8C];
	s0 =	simm.s32 @p0 $0x1  }
0x13: {  	[smem:$0x3FA7] =	sst s0;
	s0 =	simm.s32 @!p1 $0x0  }
0x14: {  	s2 =	sld [smem:$0x3F8B];
	s0 =	simm.s32 @p1 $0x1  }
0x15: {  	[smem:$0x3FA8] =	sst s0;
	s0 =	simm.s32 @!p2 $0x0  }
0x16: {  	s3 =	sld [smem:$0x3FDB];
	s0 =	simm.s32 @p2 $0x1  }
0x17: {  	s4 =	simm.s32 $0x1BF5;
	[smem:$0x3FAA] =	sst s0  }
0x18: {  	s0 =	sld [smem:$0x3F8D];
	_ =	swait.ge [sflag:s4], $0x0  }
0x19: {  	s7 =	sld [smem:$0x3F8E]  }
0x1a: {  	s8 =	sadd.s32 $0xFFFFE003, lr  }
0x1b: {  	s9 =	sadd.s32 $0xFFFFFEF7, lr;
	s5 =	simm.s32 $0xFFFFFFFF;
	p2 =	slt.u32 s8, $0xFFFFF086  }
0x1c: {  	p1 =	slt.u32 s9, $0xF7A;
	s5 =	simm.s32 @!p2 $0x0  }
0x1d: {  	s5 =	simm.s32 @p1 $0x1;
	p0 =	seq.s32 s7, s2  }
0x1e: {  	s7 =	smul.u32 @!p0 $0xF7A, s2;
	p2 =	seq.s32 @!p0 s5, $0x0  }
0x1f: {  	s9 =	smul.u32 $0xF7A, s1;
	s8 =	simm.s32 @!p0 $0x1BF5;
	p2 =	por !p2, p0  }
0x20: {  	[sflag:s8] =	ssyncset.s32 @!p0 $0xFFFFF086;
	s6 =	sadd.s32 @!p0 s3, s7;
	s7 =	simm.s32 @!p0 $0x108  }
0x21: {  	s3 =	sadd.s32 s3, s9;
	s6 =	sadd.s32 @!p0 $0x88, s6;
	s7 =	simm.s32 @p2 $0x1082  }
0x22: {  	[simem:s7], [sflag:s8] =	dma.local @!p0 [hbm:s6], $0xF7A  }
0x23: {  	s9 =	sor.u32 $0xD0000000, s2;
	s6 =	simm.s32 $0x108;
	_ =	swait.ge @!p0 [sflag:s8], $0x0  }
0x24: {  	s3 =	sadd.s32 $0x88, s3;
	s6 =	simm.s32 @!p1 $0x1082;
	[sflag:s4] =	ssyncset.s32 $0xFFFFF086  }
0x25: {  	[simem:s6], [sflag:s4] =	dma.local [hbm:s3], $0xF7A  }
0x26: {  	[smem:$0x3F8E] =	sst s1;
	(tag) =	ssettag s2;
	_ =	strace s9  }
0x27: {  	s1 =	sld [smem:$0x3F9E]  }
0x28: {  	s2 =	sld [smem:$0x3F9F]  }
0x29: {  	s4 =	sld [smem:$0x3FA1]  }
0x2a: {  	p0 =	seq.s32 s5, $0x0;
	s5 =	sld [smem:$0x3FA2]  }
0x2b: {  	s6 =	sld [smem:$0x3FA3]  }
0x2c: {  	s7 =	sld [smem:$0x3FA4]  }
0x2d: {  	s3 =	simm.s32 $0x108;
	s8 =	sld [smem:$0x3FA5]  }
0x2e: {  	s3 =	simm.s32 @!p0 $0x1082;
	s9 =	sld [smem:$0x3FA6]  }
0x2f: {  	lr =	sadd.s32 s0, s3;
	s0 =	sld [smem:$0x3F9D]  }
0x30: {  	s3 =	sld [smem:$0x3FA0]  }
0x31: {  	[smem:$0x3FA9] =	sst s10  }
0x32: {  	s10 =	sld [smem:$0x3FA7];
	_ =	sdelay $0x3  }
0x33: {  	p0 =	seq.s32 s10, $0x1;
	s10 =	sld [smem:$0x3FA9];
	_ =	sdelay $0x3  }
0x34: {  	[smem:$0x3FA9] =	sst s10  }
0x35: {  	s10 =	sld [smem:$0x3FA8];
	_ =	sdelay $0x3  }
0x36: {  	p1 =	seq.s32 s10, $0x1;
	s10 =	sld [smem:$0x3FA9];
	_ =	sdelay $0x3  }
0x37: {  	[smem:$0x3FA9] =	sst s10  }
0x38: {  	s10 =	sld [smem:$0x3FAA]  }
0x39: {  	_ = 	snop;
	(pc) =	sbr.ind lr, $3  }
0x3a: {  	_ = 	snop  }
0x3b: {  	_ = 	snop  }
0x3c: {  	p2 =	seq.s32 s10, $0x1;
	s10 =	sld [smem:$0x3FA9]  }
0x3d: {  	_ =	shalt  }
0x3e: {  	_ =	shalt  }
0x3f: {  	_ =	shalt  }
0x40: {  	_ =	shalt  }
0x41: {  	_ =	shalt  }
0x42: {  	_ =	shalt  }
0x43: {  	_ =	shalt  }
0x44: {  	_ =	shalt  }
0x45: {  	_ =	shalt  }
0x46: {  	_ =	shalt  }
0x47: {  	_ =	shalt  }
0x48: {  	_ =	shalt  }
0x49: {  	_ =	shalt  }
0x4a: {  	_ =	shalt  }
0x4b: {  	_ =	shalt  }
0x4c: {  	_ =	shalt  }
0x4d: {  	_ =	shalt  }
0x4e: {  	_ =	shalt  }
0x4f: {  	_ =	shalt  }
0x50: {  	_ =	shalt  }
0x51: {  	_ =	shalt  }
0x52: {  	_ =	shalt  }
0x53: {  	_ =	shalt  }
0x54: {  	_ =	shalt  }
0x55: {  	_ =	shalt  }
0x56: {  	_ =	shalt  }
0x57: {  	_ =	shalt  }
0x58: {  	_ =	shalt  }
0x59: {  	_ =	shalt  }
0x5a: {  	_ =	shalt  }
0x5b: {  	_ =	shalt  }
0x5c: {  	_ =	shalt  }
0x5d: {  	_ =	shalt  }
0x5e: {  	_ =	shalt  }
0x5f: {  	_ =	shalt  }
0x60: {  	_ =	shalt  }
0x61: {  	_ =	shalt  }
0x62: {  	_ =	shalt  }
0x63: {  	_ =	shalt  }
0x64: {  	_ =	shalt  }
0x65: {  	_ =	shalt  }
0x66: {  	_ =	shalt  }
0x67: {  	_ =	shalt  }
0x68: {  	_ =	shalt  }
0x69: {  	_ =	shalt  }
0x6a: {  	_ =	shalt  }
0x6b: {  	_ =	shalt  }
0x6c: {  	_ =	shalt  }
0x6d: {  	_ =	shalt  }
0x6e: {  	_ =	shalt  }
0x6f: {  	_ =	shalt  }
0x70: {  	_ =	shalt  }
0x71: {  	_ =	shalt  }
0x72: {  	_ =	shalt  }
0x73: {  	_ =	shalt  }
0x74: {  	_ =	shalt  }
0x75: {  	_ =	shalt  }
0x76: {  	_ =	shalt  }
0x77: {  	_ =	shalt  }
0x78: {  	_ =	shalt  }
0x79: {  	_ =	shalt  }
0x7a: {  	_ =	shalt  }
0x7b: {  	_ =	shalt  }
0x7c: {  	_ =	shalt  }
0x7d: {  	_ =	shalt  }
0x7e: {  	_ =	shalt  }
0x7f: {  	_ =	shalt  }
0x80: {  	_ =	shalt  }
0x81: {  	_ =	shalt  }
0x82: {  	_ =	shalt  }
0x83: {  	_ =	shalt  }
0x84: {  	_ =	shalt  }
0x85: {  	_ =	shalt  }
0x86: {  	_ =	shalt  }
0x87: {  	_ =	shalt  }
.Lfunc_end0:
.L_simem_size_0:
called_computation_lowered:
.L_overlay_start_0:
0x88: {  	s2 =	sld [smem:$0x3FD9]  }
0x89: {  	s3 =	sld [smem:$0x3FFE];
	_ =	sdelay $0x1  }
0x8a: {  	s1 =	srdreg.scid  }
0x8b: {  	s0 =	sand.u32 $0x1, s1  }
0x8c: {  	s17 =	sshll.u32 s0, $0xA;
	s2 =	sadd.s32 s3, s2  }
0x8d: {  	s2 =	sadd.s32 s2, s17  }
0x8e: {  	[smem:$0x3FB5] =	sst s2  }
0x8f: {  	_ = 	snop  }
0x90: {  	(tm) =	ssettm $0x1  }
0x91: {  	s18 =	sld [smem:$0x3FFB];
	_ =	sdelay $0x3  }
0x92: {  	_ =	strace s18  }
0x93: {  	s2 =	sld [smem:$0x3FFC];
	_ =	sdelay $0x3  }
0x94: {  	_ =	strace s2  }
0x95: {  	s2 =	sld [smem:$0x3FFD];
	_ =	sdelay $0x3  }
0x96: {  	_ =	strace s2  }
0x97: {  	_ =	strace $0x8FFFFFFF  }
0x98: {  	s19 =	sld [smem:$0x3FDB];
	_ =	sdelay $0x1  }
0x99: {  	s20 =	simm.s32 $_scs_section_size  }
0x9a: {  	s4 =	simm.s32 $_size__tile_overlayer_lowered;
	s5 =	simm.s32 $_tile_overlayer_lowered  }
0x9b: {  	s6 =	simm.s32 $0x1BFF;
	s21 =	sshll.u32 s5, $0x1;
	s3 =	sadd.s32 s20, s19  }
0x9c: {  	s22 =	simm.s32 $0x0;
	s4 =	sshll.u32 s4, $0x1;
	s5 =	sadd.s32 s21, s3  }
0x9d: {  	[timem:s22], [sflag:s6] =	dma.local [hbm:s5], s4  }
0x9e: {  	_ =	swait.ge [sflag:s6], s4  }
0x9f: {  	s4 =	ssub.s32 $0x0, s4;
	[sflag:s6] =	ssyncset.done $0x0  }
0xa0: {  	[sflag:s6] =	ssyncadd.s32 s4;
	_ =	sdelay $0x1  }
0xa1: {  	s23 =	simm.s32 $0x1B8B  }
0xa2: {  	_ =	swait.ge [sflag:s23], $0x1  }
0xa3: {  	[sflag:s23] =	ssyncset.done $0x0  }
0xa4: {  	[sflag:s23] =	ssyncadd.s32 $0xFFFFFFFF  }
0xa5: {  	s4 =	sld [smem:$0x0]  }
0xa6: {  	s5 =	sand.u32 $0xFFFFFFFE, s1  }
0xa7: {  	p0 =	sne.s32 s1, s5  }
0xa8: {  	s5 =	sshll.u32 @p0 s5, $0xE  }
0xa9: {  	s5 =	sadd.s32 @p0 $0x11B8D, s5;
	s6 =	sshll.u32 @p0 s4, $0x11  }
0xaa: {  	s5 =	sor.u32 @p0 s6, s5  }
0xab: {  	[sflag:s5] =	ssyncadd.remote.s32 @p0 $0x1;
	_ =	sdelay $0x1  }
0xac: {  	s5 =	simm.s32 @p0 $0x1B8D  }
0xad: {  	_ =	swait.eq @p0 [sflag:s5], $0x1  }
0xae: {  	[sflag:s5] =	ssyncadd.s32 @p0 $0xFFFFFFFF  }
0xaf: {  	s6 =	sshll.u32 @!p0 s1, $0xE  }
0xb0: {  	s6 =	sor.u32 @!p0 $0x4000, s6;
	s5 =	simm.s32 @!p0 $0x1B8D  }
0xb1: {  	s4 =	sshll.u32 @!p0 s4, $0x11;
	s6 =	sadd.s32 @!p0 $0x11B8D, s6;
	_ =	swait.eq @!p0 [sflag:s5], $0x1  }
0xb2: {  	s4 =	sor.u32 @!p0 s4, s6;
	[sflag:s5] =	ssyncadd.s32 @!p0 $0xFFFFFFFF  }
0xb3: {  	s25 =	simm.s32 $0x1B8E;
	s24 =	sld [smem:$0x3FFE];
	[sflag:s4] =	ssyncadd.remote.s32 @!p0 $0x1  }
0xb4: {  	s26 =	simm.s32 $execute0_lowered;
	[smem:$0x3FD2] =	sst s25  }
0xb5: {  	s5 =	sshll.u32 s26, $0x1;
	_ =	strace $0x80000049;
	[dreg:$0x1] =	wrdreg $0xFFFFFFFF  }
0xb6: {  	s28 =	simm.s32 $_size_execute0_lowered;
	s3 =	sadd.s32 s3, s5;
	[dreg:$0x0] =	wrdreg $0x0  }
0xb7: {  	s5 =	sshll.u32 s28, $0x1;
	[dreg:$0x2] =	wrdreg s3  }
0xb8: {  	[dreg:$0x3] =	wrdreg s5  }
0xb9: {  	[dreg:$0x4] =	wrdreg $0xC0  }
0xba: {  	_ =	task [dreg:s22], $0x5FFFF  }
0xbb: {  	[dreg:$0x1] =	wrdreg $0xFFFFFFFF  }
0xbc: {  	[dreg:$0x0] =	wrdreg $0x60  }
0xbd: {  	[dreg:$0x2] =	wrdreg s24  }
0xbe: {  	[dreg:$0x3] =	wrdreg $0x68000  }
0xbf: {  	[dreg:$0x4] =	wrdreg $0x9  }
0xc0: {  	_ =	task.clear_ibuf [dreg:s22], $0x5FFFF;
	_ =	strace $0x90000049  }
0xc1: {  	s29 =	simm.s32 $0x9;
	_ =	strace $0x8000004B  }
0xc2: {  	_ =	swait.ge [sflag:s29], $0x1  }
0xc3: {  	[sflag:s29] =	ssyncadd.s32 $0xFFFFFFFF  }
0xc4: {  	_ =	strace $0x9000004B  }
0xc5: {  	_ =	sfence  }
0xc6: {  	s30 =	sld [smem:$0x0];
	_ =	sdelay $0x2  }
0xc7: {  	s31 =	sshll.u32 s1, $0xD;
	s1 =	sshrl.u32 s1, $0x2  }
0xc8: {  	s4 =	sand.u32 $0x4000, s31;
	s1 =	sadd.s32 s1, s30  }
0xc9: {  	s0 =	sor.u32 s4, s0;
	s1 =	sshll.u32 s1, $0x11  }
0xca: {  	s0 =	sor.u32 s1, s0  }
0xcb: {  	s0 =	sadd.s32 $0x8F2B, s0  }
0xcc: {  	[sflag:s0] =	ssyncadd.remote.s32 $0x1  }
0xcd: {  	_ =	sfence.sel $0xFFFF  }
0xce: {  	[dreg:$0x0] =	wrdreg $0xFFFFFFFF;
	(pc) =	sbr.abs _section_cstart, $3  }
0xcf: {  	[dreg:$0x1] =	wrdreg $0xFFFFFFFF  }
0xd0: {  	_ =	task.clear_ibuf [dreg:s22], $0x2FFFF;
	_ =	strace $0x9FFFFFFF  }
0xd1: {  	(tm) =	ssettm $0x7FFFFFFF  }
tec
execute0_lowered:
.L_overlay_start_1:
0x0: {  	(tag) =	ssettag $0x1  }
0x1: {  	s1 =	srdreg.scid  }
0x2: {  	s0 =	stileid.u32;
	s7 =	rddreg [dreg:$0x0]  }
0x3: {  	s2 =	rddreg [dreg:$0x1];
	s3 =	simm.s32 $0x0;
	s12 =	simm.s32 $0x2800  }
0x4: {  	s13 =	simm.s32 $0x80;
	s14 =	simm.s32 $0x0;
	s8 =	smul.u32 $0x13C00, s0  }
0x5: {  	s6 =	sand.u32 $0x1, s1;
	s29 =	sshll.u32 s0, $0x1;
	s10 =	smul.u32 $0x4F000, s0  }
0x6: {  	[smem:$0x7FF] =	sst s3;
	s1 =	sor.u32 s6, s29;
	s5 =	smul.u32 $0x13C000, s6  }
0x7: {  	s31 =	sshll.u32 s0, $0x6;
	s6 =	ssub.s32 $0x2, s6;
	s4 =	smul.u32 $0x500, s1  }
0x8: {  	s1 =	rddreg [dreg:$0x2];
	_ =	strace $0x8000004A;
	s30 =	sshrl.u32 s6, $0x1  }
0x9: {  	s10 =	sshrl.u32 s10, $0x2;
	s8 =	sadd.s32 s8, s5;
	s5 =	sadd.s32 $0x5FA00, s7  }
0xa: {  	s11 =	ssub.s32 s6, s30;
	s10 =	sadd.s32 s10, s2;
	s6 =	sor.u32 $0x1C01, s31  }
0xb: {  	s9 =	sadd.s32 s4, s7;
	s4 =	sadd.s32 $0xE200, s7;
	s8 =	sshrl.u32 s8, $0x3  }
0xc: {  	s10 =	sshrl.u32 s10, $0x3;
	s8 =	sadd.s32 s8, s7;
	s7 =	sadd.s32 $0x4200, s9  }
0xd: {  	s9 =	smax.u32 s11, $0x1;
	s11 =	simm.s32 $0x1;
	s8 =	sadd.s32 $0x60200, s8  }
.LBB2_1:
0xe: {  	[spmem:s10], [sflag:s6] =	dma.local [hbm:s4], $0x2780  }
0xf: {  	_ =	swait.ge [sflag:s11], $0x2780  }
0x10: {  	[sflag:s11] =	ssyncset.done $0x0  }
0x11: {  	[sflag:s11] =	ssyncadd.s32 $0xFFFFD880  }
0x12: {  	[tilespmem:s3], [sflag:$0x1] =	stream.linear.gather [hbm4b:s7+s3], $0x2800, $0x38;
	[tilespmem:$0x1A400] =	vst v63  }
0x13: {  	_ =	swait.ge [sflag:s11], $0x2800  }
0x14: {  	[sflag:s11] =	ssyncset.done $0x0  }
0x15: {  	[sflag:s11] =	ssyncadd.s32 $0xFFFFD800  }
0x16: {  	[tilespmem:s12], [sflag:$0x1] =	stream.linear.gather [hbm4b:s5+s3], $0x4000, $0x38;
	[tilespmem:$0x1A400] =	vst v63  }
0x17: {  	_ =	swait.ge [sflag:s11], $0x4000  }
0x18: {  	[sflag:s11] =	ssyncset.done $0x0  }
0x19: {  	[sflag:s11] =	ssyncadd.s32 $0xFFFFC000  }
0x1a: {  	s15 =	simm.s32 $0x0;
	[bflag:$0x0] =	sbarrier.arrive $0xFFFF  }
0x1b: {  	[spmem:s2] =	stream.indirect.scatter.add.f32 [tilespmem:s12], [sflag:$0x1], $0x80, s15, s13, $0xb8;
	[tilespmem:$0x1A400] =	vst v63  }
0x1c: {  	_ =	swait.ge [sflag:s11], $0x4000  }
0x1d: {  	s15 =	simm.s32 $0x200;
	[sflag:s11] =	ssyncset.done $0x0  }
.LBB2_2:
0x1e: {  	s16 =	sshra.s32 s15, $0x2;
	[sflag:s11] =	ssyncadd.s32 $0xFFFFC000;
	p0 =	sne.s32 s15, $0x9E00  }
0x1f: {  	[spmem:s2] =	stream.indirect.scatter.add.f32 [tilespmem:s12], [sflag:$0x1], $0x80, s16, s13, $0xb8;
	[tilespmem:$0x1A400] =	vst v63  }
.Ltmp0:
0x20: {  	_ = 	snop;
	(pc) =	sbr.rel @p0 .LBB2_2-.Ltmp0, $4  }
0x21: {  	_ = 	snop  }
0x22: {  	s15 =	sadd.s32 $0x200, s15  }
0x23: {  	_ =	swait.ge [sflag:s11], $0x4000  }
0x24: {  	[sflag:s11] =	ssyncset.done $0x0  }
0x25: {  	s14 =	sadd.s32 $0x1, s14  }
0x26: {  	[sflag:s11] =	ssyncadd.s32 $0xFFFFC000;
	p0 =	sne.s32 s14, s9  }
.Ltmp1:
0x27: {  	[bflag:$0x0] =	sbarrier.arrive $0xFFFF;
	(pc) =	sbr.rel @p0 .LBB2_1-.Ltmp1, $4  }
0x28: {  	[hbm:s8], [sflag:s6] =	dma.local [spmem:s10], $0x2780  }
0x29: {  	_ =	swait.ge [sflag:s11], $0x2780  }
0x2a: {  	[sflag:s11] =	ssyncset.done $0x0  }
0x2b: {  	[sflag:s11] =	ssyncadd.s32 $0xFFFFD880  }
0x2c: {  	_ =	sfence.sel $0x180000  }
0x2d: {  	[bflag:$0x0] =	sbarrier.arrive $0xFFFF  }
0x2e: {  	p0 =	sne.s32 s0, $0x0;
	_ =	strace $0x9000004A  }
0x2f: {  	s0 =	sadd.s32 @!p0 $0x100000, s1;
	[bflag:$0x2] =	sbarrier.arrive $0xFFFF  }
0x30: {  	[sflag:s0] =	ssyncadd.tile.s32 @!p0 $0x1;
	_ =	shalt  }
.Lfunc_end2:
_tile_overlayer_lowered:
.L_overlay_start_2:
0x31: {  	(tag) =	ssettag $0x2  }
0x32: {  	s0 =	rddreg [dreg:$0x0];
	s2 =	stileid.u32  }
0x33: {  	s1 =	rddreg [dreg:$0x1];
	p0 =	sne.s32 s2, $0x0  }
0x34: {  	s3 =	rddreg [dreg:$0x2];
	[bflag:$0x3] =	sbarrier.arrive $0xFFFF;
	s2 =	simm.s32 @!p0 $0x1C01  }
0x35: {  	[timem:s3], [sflag:s2] =	dma.local @!p0 [hbm:s0], s1  }
0x36: {  	s0 =	simm.s32 @!p0 $0x1  }
0x37: {  	_ =	swait.ge @!p0 [sflag:s0], s1  }
0x38: {  	s1 =	ssub.s32 @!p0 $0x0, s1;
	[sflag:s0] =	ssyncset.done @!p0 $0x0  }
0x39: {  	[sflag:s0] =	ssyncadd.s32 @!p0 s1  }
0x3a: {  	[bflag:$0x3] =	sbarrier.arrive $0xFFFF  }
0x3b: {  	_ =	shalt  }

</sc_bundles>
